<compile_context>
chip_gen: v7x
topology: tpu7x:2x2x1
jax: 0.10.2.dev20260603
libtpu: 0.0.44.dev20260713+nightly
codegen_flags: <defaults>
</compile_context>

<pallas_src>
import functools

import jax
import jax.numpy as jnp
from jax import lax
from jax.experimental import pallas as pl
from jax.experimental.pallas import tpu as pltpu
from jax.experimental.pallas import tpu_sc as plsc

_NC = 2
_NS = 16
_NW = _NC * _NS
_L = 16


def _make_sc_gather(R, H, W, C):
    rpw = R // _NW
    sel_len = 128
    n_chunks = (C + _L - 1) // _L

    mesh = plsc.VectorSubcoreMesh(core_axis_name="c", subcore_axis_name="s")

    @functools.partial(
        pl.kernel,
        mesh=mesh,
        out_type=jax.ShapeDtypeStruct((R, H, W), jnp.float32),
        compiler_params=pltpu.CompilerParams(needs_layout_passes=False),
        scratch_types=[
            pltpu.VMEM((C,), jnp.float32),
            pltpu.VMEM((sel_len,), jnp.int32),
            pltpu.VMEM((16 * _L,), jnp.int32),
            pltpu.VMEM_SHARED((_NS, 2, 1, H, W), jnp.float32),
            pltpu.SemaphoreType.DMA,
            pltpu.SemaphoreType.DMA,
            pltpu.SemaphoreType.DMA,
            pltpu.SemaphoreType.DMA,
        ],
    )
    def sc_gather(inp, idxs, out, mask_v, sel_v, rix_v, shbuf,
                  gs0, gs1, ss0, ss1):
        wid = lax.axis_index("s") * _NC + lax.axis_index("c")
        base = wid * rpw
        n = base // C
        co = base - n * C

        pltpu.sync_copy(idxs, mask_v)

        zeros = jnp.zeros((_L,), jnp.int32)
        for t in range(sel_len // _L):
            sel_v[pl.ds(t * _L, _L)] = zeros
        carry = jnp.int32(0)
        for t in range(n_chunks):
            v = mask_v[pl.ds(t * _L, _L)]
            nz = v != 0.0
            nzi = nz.astype(jnp.int32)
            pos = plsc.cumsum(nzi) - 1 + carry
            pos = jnp.where(nz, pos, 0)
            j = lax.iota(jnp.int32, _L) + (t * _L)
            plsc.store_scatter(sel_v, [pos], j, mask=nz)
            carry = carry + jnp.sum(nzi)

        nbase = n * C
        for t in range(2):
            lane = lax.iota(jnp.int32, _L) + (co + t * _L)
            sel = plsc.load_gather(sel_v, [lane])
            slot = (lax.iota(jnp.int32, _L) + t * _L) * 8
            plsc.store_scatter(rix_v, [slot], sel + nbase)

        def src_row(i):
            return rix_v[pl.ds(8 * i, _L)][0]

        sid = lax.axis_index("s")
        bufs = (shbuf.at[sid, 0], shbuf.at[sid, 1])
        gsems = (gs0, gs1)
        ssems = (ss0, ss1)
        gather_dma = [None, None]
        scatter_dma = [None, None]
        gather_dma[0] = pltpu.async_copy(
            inp.at[pl.ds(src_row(0), 1)], bufs[0], gsems[0])
        for i in range(rpw):
            b = i % 2
            nb = (i + 1) % 2
            if i + 1 < rpw:
                if scatter_dma[nb] is not None:
                    scatter_dma[nb].wait()
                gather_dma[nb] = pltpu.async_copy(
                    inp.at[pl.ds(src_row(i + 1), 1)], bufs[nb], gsems[nb])
            gather_dma[b].wait()
            scatter_dma[b] = pltpu.async_copy(
                bufs[b], out.at[pl.ds(base + i, 1)], ssems[b])
        scatter_dma[0].wait()
        scatter_dma[1].wait()

    return sc_gather


def kernel(input_tensor, indexes):
    N, C, H, W = input_tensor.shape
    R = N * C
    inp3d = input_tensor.reshape(R, H, W)
    out3d = _make_sc_gather(R, H, W, C)(inp3d, indexes)
    return out3d.reshape(N, C, H, W)

# --- scband reference (transcript-rebuilt; emitter-appended) ---
"""Pipeline reference for scband-channel-selection-6468220748476 (READ-ONLY COPY).

The authoritative reference and input builder live on the scoring server;
editing this copy changes nothing except your own understanding.
"""

import jax, jax.numpy as jnp
import numpy as np


def setup_inputs(seed: int = 0) -> dict:
    key = jax.random.key(seed)
    k1, k2 = jax.random.split(key)
    input_tensor = jax.random.normal(k1, (8, 96, 224, 224), dtype=jnp.float32)
    # learned parameter: channel-selection mask, initialized to all ones (no pruning yet)
    indexes = jnp.ones((96,), dtype=jnp.float32)
    return {"input_tensor": input_tensor, "indexes": indexes}


def reference(input_tensor, indexes):
    # Fixed-shape traceable equivalent of np.argwhere/squeeze on the mask:
    # the mask is always all ones, so the nonzero count equals the static
    # channel dimension and the gather selects every channel in order.
    num_channels = indexes.shape[0]
    (selected,) = jnp.nonzero(indexes, size=num_channels, fill_value=0)
    selected = selected.astype(jnp.int32)
    output = jnp.take(input_tensor, selected, axis=1)
    return output

if __name__ == "__main__":
    import jax
    _d = setup_inputs()
    print(jax.jit(kernel)(*tuple(_d.values())))

</pallas_src>

<mosaic_0001>
#map = affine_map<(d0, d1) -> (0, 0, 0)>
#map1 = affine_map<(d0, d1) -> (0)>
module attributes {stable_mosaic.version = 14 : i64} {
  func.func @sc_gather(%arg0: i32, %arg1: i32, %arg2: memref<768x224x224xf32, #tpu.memory_space<hbm>>, %arg3: memref<96xf32, #tpu.memory_space<hbm>>, %arg4: memref<768x224x224xf32, #tpu.memory_space<hbm>>, %arg5: memref<96xf32, #tpu.memory_space<vmem>>, %arg6: memref<128xi32, #tpu.memory_space<vmem>>, %arg7: memref<256xi32, #tpu.memory_space<vmem>>, %arg8: memref<16x2x1x224x224xf32, #tpu.memory_space<vmem_shared>>, %arg9: memref<!tpu.dma_semaphore, #tpu.memory_space<semaphore_mem>>, %arg10: memref<!tpu.dma_semaphore, #tpu.memory_space<semaphore_mem>>, %arg11: memref<!tpu.dma_semaphore, #tpu.memory_space<semaphore_mem>>, %arg12: memref<!tpu.dma_semaphore, #tpu.memory_space<semaphore_mem>>) attributes {dimension_semantics = [#tpu.dimension_semantics<core_parallel>, #tpu.dimension_semantics<subcore_parallel>], iteration_bounds = array<i64: 2, 16>, scalar_prefetch = 0 : i64, scratch_operands = 8 : i64, tpu.core_type = #tpu.core_type<sc_vector_subcore>, window_params = [{transform_indices = #map}, {transform_indices = #map1}, {transform_indices = #map}]} {
    %mul3A = arith.constant 2 : i32
    %mul3A_0 = arith.muli %arg1, %mul3A : i32
    %add3A = arith.addi %mul3A_0, %arg0 : i32
    %mul3A_1 = arith.constant 24 : i32
    %mul3A_2 = arith.muli %add3A, %mul3A_1 : i32
    %jit3A = arith.constant 96 : i32
    %div3A = arith.divsi %mul3A_2, %jit3A : i32
    %sign3A = arith.constant 0 : i32
    %sign3A_3 = arith.cmpi sgt, %mul3A_2, %sign3A : i32
    %sign3A_4 = arith.extui %sign3A_3 : i1 to i32
    %sign3A_5 = arith.constant 0 : i32
    %sign3A_6 = arith.cmpi slt, %mul3A_2, %sign3A_5 : i32
    %sign3A_7 = arith.extui %sign3A_6 : i1 to i32
    %sign3A_8 = arith.subi %sign3A_4, %sign3A_7 : i32
    %sign3A_9 = arith.constant 0 : i32
    %sign3A_10 = arith.cmpi sgt, %jit3A, %sign3A_9 : i32
    %sign3A_11 = arith.extui %sign3A_10 : i1 to i32
    %sign3A_12 = arith.constant 0 : i32
    %sign3A_13 = arith.cmpi slt, %jit3A, %sign3A_12 : i32
    %sign3A_14 = arith.extui %sign3A_13 : i1 to i32
    %sign3A_15 = arith.subi %sign3A_11, %sign3A_14 : i32
    %ne3A = arith.cmpi ne, %sign3A_8, %sign3A_15 : i32
    %rem3A = arith.remsi %mul3A_2, %jit3A : i32
    %ne3A_16 = arith.constant 0 : i32
    %ne3A_17 = arith.cmpi ne, %rem3A, %ne3A_16 : i32
    %and3A = arith.andi %ne3A, %ne3A_17 : i1
    %sub3A = arith.constant 1 : i32
    %sub3A_18 = arith.subi %div3A, %sub3A : i32
    %select_n3A = arith.select %and3A, %sub3A_18, %div3A : i32
    %mul3A_19 = arith.constant 96 : i32
    %mul3A_20 = arith.muli %select_n3A, %mul3A_19 : i32
    %sub3A_21 = arith.subi %mul3A_2, %mul3A_20 : i32
    "tpu.region"() ({
      %run_scoped3A = tpu.sem_alloc : memref<!tpu.dma_semaphore, #tpu.memory_space<semaphore_mem>>
      tpu.enqueue_dma source(%arg3 : memref<96xf32, #tpu.memory_space<hbm>>) target(%arg5 : memref<96xf32, #tpu.memory_space<vmem>>) target_semaphore(%run_scoped3A : memref<!tpu.dma_semaphore, #tpu.memory_space<semaphore_mem>>)
      tpu.wait_dma2 semaphore(%run_scoped3A : memref<!tpu.dma_semaphore, #tpu.memory_space<semaphore_mem>>) src(%arg3 : memref<96xf32, #tpu.memory_space<hbm>>) dst(%arg5 : memref<96xf32, #tpu.memory_space<vmem>>)
      tpu.yield
    }) : () -> ()
    %broadcast_in_dim3A = arith.constant 0 : i32
    %broadcast_in_dim3A_22 = vector.broadcast %broadcast_in_dim3A : i32 to vector<16xi32>
    %swap3A = arith.constant 0 : index
    %swap3A_23 = tpu.vector_load %arg6[%swap3A] {strides = array<i32>} : memref<128xi32, #tpu.memory_space<vmem>>, vector<16xi32>,
    tpu.vector_store %arg6[%swap3A], %broadcast_in_dim3A_22 {strides = array<i32>} : memref<128xi32, #tpu.memory_space<vmem>>, vector<16xi32>,
    %swap3A_24 = arith.constant 16 : index
    %swap3A_25 = tpu.vector_load %arg6[%swap3A_24] {strides = array<i32>} : memref<128xi32, #tpu.memory_space<vmem>>, vector<16xi32>,
    tpu.vector_store %arg6[%swap3A_24], %broadcast_in_dim3A_22 {strides = array<i32>} : memref<128xi32, #tpu.memory_space<vmem>>, vector<16xi32>,
    %swap3A_26 = arith.constant 32 : index
    %swap3A_27 = tpu.vector_load %arg6[%swap3A_26] {strides = array<i32>} : memref<128xi32, #tpu.memory_space<vmem>>, vector<16xi32>,
    tpu.vector_store %arg6[%swap3A_26], %broadcast_in_dim3A_22 {strides = array<i32>} : memref<128xi32, #tpu.memory_space<vmem>>, vector<16xi32>,
    %swap3A_28 = arith.constant 48 : index
    %swap3A_29 = tpu.vector_load %arg6[%swap3A_28] {strides = array<i32>} : memref<128xi32, #tpu.memory_space<vmem>>, vector<16xi32>,
    tpu.vector_store %arg6[%swap3A_28], %broadcast_in_dim3A_22 {strides = array<i32>} : memref<128xi32, #tpu.memory_space<vmem>>, vector<16xi32>,
    %swap3A_30 = arith.constant 64 : index
    %swap3A_31 = tpu.vector_load %arg6[%swap3A_30] {strides = array<i32>} : memref<128xi32, #tpu.memory_space<vmem>>, vector<16xi32>,
    tpu.vector_store %arg6[%swap3A_30], %broadcast_in_dim3A_22 {strides = array<i32>} : memref<128xi32, #tpu.memory_space<vmem>>, vector<16xi32>,
    %swap3A_32 = arith.constant 80 : index
    %swap3A_33 = tpu.vector_load %arg6[%swap3A_32] {strides = array<i32>} : memref<128xi32, #tpu.memory_space<vmem>>, vector<16xi32>,
    tpu.vector_store %arg6[%swap3A_32], %broadcast_in_dim3A_22 {strides = array<i32>} : memref<128xi32, #tpu.memory_space<vmem>>, vector<16xi32>,
    %swap3A_34 = arith.constant 96 : index
    %swap3A_35 = tpu.vector_load %arg6[%swap3A_34] {strides = array<i32>} : memref<128xi32, #tpu.memory_space<vmem>>, vector<16xi32>,
    tpu.vector_store %arg6[%swap3A_34], %broadcast_in_dim3A_22 {strides = array<i32>} : memref<128xi32, #tpu.memory_space<vmem>>, vector<16xi32>,
    %swap3A_36 = arith.constant 112 : index
    %swap3A_37 = tpu.vector_load %arg6[%swap3A_36] {strides = array<i32>} : memref<128xi32, #tpu.memory_space<vmem>>, vector<16xi32>,
    tpu.vector_store %arg6[%swap3A_36], %broadcast_in_dim3A_22 {strides = array<i32>} : memref<128xi32, #tpu.memory_space<vmem>>, vector<16xi32>,
    %get3A = arith.constant 0 : index
    %get3A_38 = tpu.vector_load %arg5[%get3A] {strides = array<i32>} : memref<96xf32, #tpu.memory_space<vmem>>, vector<16xf32>,
    %ne3A_39 = arith.constant 0.000000e+00 : f32
    %ne3A_40 = vector.broadcast %ne3A_39 : f32 to vector<16xf32>
    %ne3A_41 = arith.cmpf one, %get3A_38, %ne3A_40 : vector<16xf32>
    %convert_element_type3A = arith.extui %ne3A_41 : vector<16xi1> to vector<16xi32>
    %broadcast_in_dim3A_42 = arith.constant true
    %broadcast_in_dim3A_43 = vector.broadcast %broadcast_in_dim3A_42 : i1 to vector<16xi1>
    %masked_cumsum3A = tpu.scan <sum>, %convert_element_type3A masked %broadcast_in_dim3A_43 : vector<16xi32>, vector<16xi1> -> vector<16xi32>
    %sub3A_44 = arith.constant 1 : i32
    %sub3A_45 = vector.broadcast %sub3A_44 : i32 to vector<16xi32>
    %sub3A_46 = arith.subi %masked_cumsum3A, %sub3A_45 : vector<16xi32>
    %add3A_47 = arith.constant 0 : i32
    %add3A_48 = vector.broadcast %add3A_47 : i32 to vector<16xi32>
    %add3A_49 = arith.addi %sub3A_46, %add3A_48 : vector<16xi32>
    %jit3A_50 = arith.constant 0 : i32
    %broadcast_in_dim3A_51 = vector.broadcast %jit3A_50 : i32 to vector<16xi32>
    %select_n3A_52 = arith.select %ne3A_41, %add3A_49, %broadcast_in_dim3A_51 : vector<16xi1>, vector<16xi32>
    %iota3A = tpu.iota {dimensions = array<i32: 0>} : vector<16xi32>
    %add3A_53 = arith.constant 0 : i32
    %add3A_54 = vector.broadcast %add3A_53 : i32 to vector<16xi32>
    %add3A_55 = arith.addi %iota3A, %add3A_54 : vector<16xi32>
    tpu.vector_store_idx %arg6[%select_n3A_52], %add3A_55 masked %ne3A_41 : memref<128xi32, #tpu.memory_space<vmem>>[vector<16xi32>], vector<16xi32>, vector<16xi1>
    %reduce_sum3A = arith.constant true
    %reduce_sum3A_56 = vector.broadcast %reduce_sum3A : i1 to vector<16xi1>
    %reduce_sum3A_57 = tpu.scan <sum>, %convert_element_type3A masked %reduce_sum3A_56 : vector<16xi32>, vector<16xi1> -> vector<16xi32>
    %reduce_sum3A_58 = vector.extract %reduce_sum3A_57[15] : i32 from vector<16xi32>
    %add3A_59 = arith.constant 0 : i32
    %add3A_60 = arith.addi %add3A_59, %reduce_sum3A_58 : i32
    %get3A_61 = arith.constant 16 : index
    %get3A_62 = tpu.vector_load %arg5[%get3A_61] {strides = array<i32>} : memref<96xf32, #tpu.memory_space<vmem>>, vector<16xf32>,
    %ne3A_63 = arith.constant 0.000000e+00 : f32
    %ne3A_64 = vector.broadcast %ne3A_63 : f32 to vector<16xf32>
    %ne3A_65 = arith.cmpf one, %get3A_62, %ne3A_64 : vector<16xf32>
    %convert_element_type3A_66 = arith.extui %ne3A_65 : vector<16xi1> to vector<16xi32>
    %broadcast_in_dim3A_67 = arith.constant true
    %broadcast_in_dim3A_68 = vector.broadcast %broadcast_in_dim3A_67 : i1 to vector<16xi1>
    %masked_cumsum3A_69 = tpu.scan <sum>, %convert_element_type3A_66 masked %broadcast_in_dim3A_68 : vector<16xi32>, vector<16xi1> -> vector<16xi32>
    %sub3A_70 = arith.constant 1 : i32
    %sub3A_71 = vector.broadcast %sub3A_70 : i32 to vector<16xi32>
    %sub3A_72 = arith.subi %masked_cumsum3A_69, %sub3A_71 : vector<16xi32>
    %add3A_73 = vector.broadcast %add3A_60 : i32 to vector<16xi32>
    %add3A_74 = arith.addi %sub3A_72, %add3A_73 : vector<16xi32>
    %jit3A_75 = arith.constant 0 : i32
    %broadcast_in_dim3A_76 = vector.broadcast %jit3A_75 : i32 to vector<16xi32>
    %select_n3A_77 = arith.select %ne3A_65, %add3A_74, %broadcast_in_dim3A_76 : vector<16xi1>, vector<16xi32>
    %iota3A_78 = tpu.iota {dimensions = array<i32: 0>} : vector<16xi32>
    %add3A_79 = arith.constant 16 : i32
    %add3A_80 = vector.broadcast %add3A_79 : i32 to vector<16xi32>
    %add3A_81 = arith.addi %iota3A_78, %add3A_80 : vector<16xi32>
    tpu.vector_store_idx %arg6[%select_n3A_77], %add3A_81 masked %ne3A_65 : memref<128xi32, #tpu.memory_space<vmem>>[vector<16xi32>], vector<16xi32>, vector<16xi1>
    %reduce_sum3A_82 = arith.constant true
    %reduce_sum3A_83 = vector.broadcast %reduce_sum3A_82 : i1 to vector<16xi1>
    %reduce_sum3A_84 = tpu.scan <sum>, %convert_element_type3A_66 masked %reduce_sum3A_83 : vector<16xi32>, vector<16xi1> -> vector<16xi32>
    %reduce_sum3A_85 = vector.extract %reduce_sum3A_84[15] : i32 from vector<16xi32>
    %add3A_86 = arith.addi %add3A_60, %reduce_sum3A_85 : i32
    %get3A_87 = arith.constant 32 : index
    %get3A_88 = tpu.vector_load %arg5[%get3A_87] {strides = array<i32>} : memref<96xf32, #tpu.memory_space<vmem>>, vector<16xf32>,
    %ne3A_89 = arith.constant 0.000000e+00 : f32
    %ne3A_90 = vector.broadcast %ne3A_89 : f32 to vector<16xf32>
    %ne3A_91 = arith.cmpf one, %get3A_88, %ne3A_90 : vector<16xf32>
    %convert_element_type3A_92 = arith.extui %ne3A_91 : vector<16xi1> to vector<16xi32>
    %broadcast_in_dim3A_93 = arith.constant true
    %broadcast_in_dim3A_94 = vector.broadcast %broadcast_in_dim3A_93 : i1 to vector<16xi1>
    %masked_cumsum3A_95 = tpu.scan <sum>, %convert_element_type3A_92 masked %broadcast_in_dim3A_94 : vector<16xi32>, vector<16xi1> -> vector<16xi32>
    %sub3A_96 = arith.constant 1 : i32
    %sub3A_97 = vector.broadcast %sub3A_96 : i32 to vector<16xi32>
    %sub3A_98 = arith.subi %masked_cumsum3A_95, %sub3A_97 : vector<16xi32>
    %add3A_99 = vector.broadcast %add3A_86 : i32 to vector<16xi32>
    %add3A_100 = arith.addi %sub3A_98, %add3A_99 : vector<16xi32>
    %jit3A_101 = arith.constant 0 : i32
    %broadcast_in_dim3A_102 = vector.broadcast %jit3A_101 : i32 to vector<16xi32>
    %select_n3A_103 = arith.select %ne3A_91, %add3A_100, %broadcast_in_dim3A_102 : vector<16xi1>, vector<16xi32>
    %iota3A_104 = tpu.iota {dimensions = array<i32: 0>} : vector<16xi32>
    %add3A_105 = arith.constant 32 : i32
    %add3A_106 = vector.broadcast %add3A_105 : i32 to vector<16xi32>
    %add3A_107 = arith.addi %iota3A_104, %add3A_106 : vector<16xi32>
    tpu.vector_store_idx %arg6[%select_n3A_103], %add3A_107 masked %ne3A_91 : memref<128xi32, #tpu.memory_space<vmem>>[vector<16xi32>], vector<16xi32>, vector<16xi1>
    %reduce_sum3A_108 = arith.constant true
    %reduce_sum3A_109 = vector.broadcast %reduce_sum3A_108 : i1 to vector<16xi1>
    %reduce_sum3A_110 = tpu.scan <sum>, %convert_element_type3A_92 masked %reduce_sum3A_109 : vector<16xi32>, vector<16xi1> -> vector<16xi32>
    %reduce_sum3A_111 = vector.extract %reduce_sum3A_110[15] : i32 from vector<16xi32>
    %add3A_112 = arith.addi %add3A_86, %reduce_sum3A_111 : i32
    %get3A_113 = arith.constant 48 : index
    %get3A_114 = tpu.vector_load %arg5[%get3A_113] {strides = array<i32>} : memref<96xf32, #tpu.memory_space<vmem>>, vector<16xf32>,
    %ne3A_115 = arith.constant 0.000000e+00 : f32
    %ne3A_116 = vector.broadcast %ne3A_115 : f32 to vector<16xf32>
    %ne3A_117 = arith.cmpf one, %get3A_114, %ne3A_116 : vector<16xf32>
    %convert_element_type3A_118 = arith.extui %ne3A_117 : vector<16xi1> to vector<16xi32>
    %broadcast_in_dim3A_119 = arith.constant true
    %broadcast_in_dim3A_120 = vector.broadcast %broadcast_in_dim3A_119 : i1 to vector<16xi1>
    %masked_cumsum3A_121 = tpu.scan <sum>, %convert_element_type3A_118 masked %broadcast_in_dim3A_120 : vector<16xi32>, vector<16xi1> -> vector<16xi32>
    %sub3A_122 = arith.constant 1 : i32
    %sub3A_123 = vector.broadcast %sub3A_122 : i32 to vector<16xi32>
    %sub3A_124 = arith.subi %masked_cumsum3A_121, %sub3A_123 : vector<16xi32>
    %add3A_125 = vector.broadcast %add3A_112 : i32 to vector<16xi32>
    %add3A_126 = arith.addi %sub3A_124, %add3A_125 : vector<16xi32>
    %jit3A_127 = arith.constant 0 : i32
    %broadcast_in_dim3A_128 = vector.broadcast %jit3A_127 : i32 to vector<16xi32>
    %select_n3A_129 = arith.select %ne3A_117, %add3A_126, %broadcast_in_dim3A_128 : vector<16xi1>, vector<16xi32>
    %iota3A_130 = tpu.iota {dimensions = array<i32: 0>} : vector<16xi32>
    %add3A_131 = arith.constant 48 : i32
    %add3A_132 = vector.broadcast %add3A_131 : i32 to vector<16xi32>
    %add3A_133 = arith.addi %iota3A_130, %add3A_132 : vector<16xi32>
    tpu.vector_store_idx %arg6[%select_n3A_129], %add3A_133 masked %ne3A_117 : memref<128xi32, #tpu.memory_space<vmem>>[vector<16xi32>], vector<16xi32>, vector<16xi1>
    %reduce_sum3A_134 = arith.constant true
    %reduce_sum3A_135 = vector.broadcast %reduce_sum3A_134 : i1 to vector<16xi1>
    %reduce_sum3A_136 = tpu.scan <sum>, %convert_element_type3A_118 masked %reduce_sum3A_135 : vector<16xi32>, vector<16xi1> -> vector<16xi32>
    %reduce_sum3A_137 = vector.extract %reduce_sum3A_136[15] : i32 from vector<16xi32>
    %add3A_138 = arith.addi %add3A_112, %reduce_sum3A_137 : i32
    %get3A_139 = arith.constant 64 : index
    %get3A_140 = tpu.vector_load %arg5[%get3A_139] {strides = array<i32>} : memref<96xf32, #tpu.memory_space<vmem>>, vector<16xf32>,
    %ne3A_141 = arith.constant 0.000000e+00 : f32
    %ne3A_142 = vector.broadcast %ne3A_141 : f32 to vector<16xf32>
    %ne3A_143 = arith.cmpf one, %get3A_140, %ne3A_142 : vector<16xf32>
    %convert_element_type3A_144 = arith.extui %ne3A_143 : vector<16xi1> to vector<16xi32>
    %broadcast_in_dim3A_145 = arith.constant true
    %broadcast_in_dim3A_146 = vector.broadcast %broadcast_in_dim3A_145 : i1 to vector<16xi1>
    %masked_cumsum3A_147 = tpu.scan <sum>, %convert_element_type3A_144 masked %broadcast_in_dim3A_146 : vector<16xi32>, vector<16xi1> -> vector<16xi32>
    %sub3A_148 = arith.constant 1 : i32
    %sub3A_149 = vector.broadcast %sub3A_148 : i32 to vector<16xi32>
    %sub3A_150 = arith.subi %masked_cumsum3A_147, %sub3A_149 : vector<16xi32>
    %add3A_151 = vector.broadcast %add3A_138 : i32 to vector<16xi32>
    %add3A_152 = arith.addi %sub3A_150, %add3A_151 : vector<16xi32>
    %jit3A_153 = arith.constant 0 : i32
    %broadcast_in_dim3A_154 = vector.broadcast %jit3A_153 : i32 to vector<16xi32>
    %select_n3A_155 = arith.select %ne3A_143, %add3A_152, %broadcast_in_dim3A_154 : vector<16xi1>, vector<16xi32>
    %iota3A_156 = tpu.iota {dimensions = array<i32: 0>} : vector<16xi32>
    %add3A_157 = arith.constant 64 : i32
    %add3A_158 = vector.broadcast %add3A_157 : i32 to vector<16xi32>
    %add3A_159 = arith.addi %iota3A_156, %add3A_158 : vector<16xi32>
    tpu.vector_store_idx %arg6[%select_n3A_155], %add3A_159 masked %ne3A_143 : memref<128xi32, #tpu.memory_space<vmem>>[vector<16xi32>], vector<16xi32>, vector<16xi1>
    %reduce_sum3A_160 = arith.constant true
    %reduce_sum3A_161 = vector.broadcast %reduce_sum3A_160 : i1 to vector<16xi1>
    %reduce_sum3A_162 = tpu.scan <sum>, %convert_element_type3A_144 masked %reduce_sum3A_161 : vector<16xi32>, vector<16xi1> -> vector<16xi32>
    %reduce_sum3A_163 = vector.extract %reduce_sum3A_162[15] : i32 from vector<16xi32>
    %add3A_164 = arith.addi %add3A_138, %reduce_sum3A_163 : i32
    %get3A_165 = arith.constant 80 : index
    %get3A_166 = tpu.vector_load %arg5[%get3A_165] {strides = array<i32>} : memref<96xf32, #tpu.memory_space<vmem>>, vector<16xf32>,
    %ne3A_167 = arith.constant 0.000000e+00 : f32
    %ne3A_168 = vector.broadcast %ne3A_167 : f32 to vector<16xf32>
    %ne3A_169 = arith.cmpf one, %get3A_166, %ne3A_168 : vector<16xf32>
    %convert_element_type3A_170 = arith.extui %ne3A_169 : vector<16xi1> to vector<16xi32>
    %broadcast_in_dim3A_171 = arith.constant true
    %broadcast_in_dim3A_172 = vector.broadcast %broadcast_in_dim3A_171 : i1 to vector<16xi1>
    %masked_cumsum3A_173 = tpu.scan <sum>, %convert_element_type3A_170 masked %broadcast_in_dim3A_172 : vector<16xi32>, vector<16xi1> -> vector<16xi32>
    %sub3A_174 = arith.constant 1 : i32
    %sub3A_175 = vector.broadcast %sub3A_174 : i32 to vector<16xi32>
    %sub3A_176 = arith.subi %masked_cumsum3A_173, %sub3A_175 : vector<16xi32>
    %add3A_177 = vector.broadcast %add3A_164 : i32 to vector<16xi32>
    %add3A_178 = arith.addi %sub3A_176, %add3A_177 : vector<16xi32>
    %jit3A_179 = arith.constant 0 : i32
    %broadcast_in_dim3A_180 = vector.broadcast %jit3A_179 : i32 to vector<16xi32>
    %select_n3A_181 = arith.select %ne3A_169, %add3A_178, %broadcast_in_dim3A_180 : vector<16xi1>, vector<16xi32>
    %iota3A_182 = tpu.iota {dimensions = array<i32: 0>} : vector<16xi32>
    %add3A_183 = arith.constant 80 : i32
    %add3A_184 = vector.broadcast %add3A_183 : i32 to vector<16xi32>
    %add3A_185 = arith.addi %iota3A_182, %add3A_184 : vector<16xi32>
    tpu.vector_store_idx %arg6[%select_n3A_181], %add3A_185 masked %ne3A_169 : memref<128xi32, #tpu.memory_space<vmem>>[vector<16xi32>], vector<16xi32>, vector<16xi1>
    %reduce_sum3A_186 = arith.constant true
    %reduce_sum3A_187 = vector.broadcast %reduce_sum3A_186 : i1 to vector<16xi1>
    %reduce_sum3A_188 = tpu.scan <sum>, %convert_element_type3A_170 masked %reduce_sum3A_187 : vector<16xi32>, vector<16xi1> -> vector<16xi32>
    %reduce_sum3A_189 = vector.extract %reduce_sum3A_188[15] : i32 from vector<16xi32>
    %add3A_190 = arith.addi %add3A_164, %reduce_sum3A_189 : i32
    %mul3A_191 = arith.constant 96 : i32
    %mul3A_192 = arith.muli %select_n3A, %mul3A_191 : i32
    %iota3A_193 = tpu.iota {dimensions = array<i32: 0>} : vector<16xi32>
    %add3A_194 = arith.constant 0 : i32
    %add3A_195 = arith.addi %sub3A_21, %add3A_194 : i32
    %add3A_196 = vector.broadcast %add3A_195 : i32 to vector<16xi32>
    %add3A_197 = arith.addi %iota3A_193, %add3A_196 : vector<16xi32>
    %gather3A = tpu.vector_load_idx %arg6[%add3A_197] : memref<128xi32, #tpu.memory_space<vmem>>[vector<16xi32>], vector<16xi32>,
    %iota3A_198 = tpu.iota {dimensions = array<i32: 0>} : vector<16xi32>
    %add3A_199 = arith.constant 0 : i32
    %add3A_200 = vector.broadcast %add3A_199 : i32 to vector<16xi32>
    %add3A_201 = arith.addi %iota3A_198, %add3A_200 : vector<16xi32>
    %mul3A_202 = arith.constant 8 : i32
    %mul3A_203 = vector.broadcast %mul3A_202 : i32 to vector<16xi32>
    %mul3A_204 = arith.muli %add3A_201, %mul3A_203 : vector<16xi32>
    %add3A_205 = vector.broadcast %mul3A_192 : i32 to vector<16xi32>
    %add3A_206 = arith.addi %gather3A, %add3A_205 : vector<16xi32>
    tpu.vector_store_idx %arg7[%mul3A_204], %add3A_206 : memref<256xi32, #tpu.memory_space<vmem>>[vector<16xi32>], vector<16xi32>,
    %iota3A_207 = tpu.iota {dimensions = array<i32: 0>} : vector<16xi32>
    %add3A_208 = arith.constant 16 : i32
    %add3A_209 = arith.addi %sub3A_21, %add3A_208 : i32
    %add3A_210 = vector.broadcast %add3A_209 : i32 to vector<16xi32>
    %add3A_211 = arith.addi %iota3A_207, %add3A_210 : vector<16xi32>
    %gather3A_212 = tpu.vector_load_idx %arg6[%add3A_211] : memref<128xi32, #tpu.memory_space<vmem>>[vector<16xi32>], vector<16xi32>,
    %iota3A_213 = tpu.iota {dimensions = array<i32: 0>} : vector<16xi32>
    %add3A_214 = arith.constant 16 : i32
    %add3A_215 = vector.broadcast %add3A_214 : i32 to vector<16xi32>
    %add3A_216 = arith.addi %iota3A_213, %add3A_215 : vector<16xi32>
    %mul3A_217 = arith.constant 8 : i32
    %mul3A_218 = vector.broadcast %mul3A_217 : i32 to vector<16xi32>
    %mul3A_219 = arith.muli %add3A_216, %mul3A_218 : vector<16xi32>
    %add3A_220 = vector.broadcast %mul3A_192 : i32 to vector<16xi32>
    %add3A_221 = arith.addi %gather3A_212, %add3A_220 : vector<16xi32>
    tpu.vector_store_idx %arg7[%mul3A_219], %add3A_221 : memref<256xi32, #tpu.memory_space<vmem>>[vector<16xi32>], vector<16xi32>,
    %get3A_222 = arith.constant 0 : index
    %get3A_223 = tpu.vector_load %arg7[%get3A_222] {strides = array<i32>} : memref<256xi32, #tpu.memory_space<vmem>>, vector<16xi32>,
    %slice3A = vector.extract_strided_slice %get3A_223 {offsets = [0], sizes = [1], strides = [1]} : vector<16xi32> to vector<1xi32>
    %squeeze3A = vector.extract %slice3A[0] : i32 from vector<1xi32>
    %dma_start3A = arith.constant 0 : i32
    %dma_start3A_224 = arith.constant 0 : i32
    %dma_start3A_225 = arith.constant 0 : i32
    %dma_start3A_226 = arith.constant 0 : i32
    %dma_start3A_227 = tpu.memref_slice %arg8[%arg1, %dma_start3A, %dma_start3A_224, %dma_start3A_225, %dma_start3A_226] : memref<16x2x1x224x224xf32, #tpu.memory_space<vmem_shared>> -> memref<1x1x1x224x224xf32, #tpu.memory_space<vmem_shared>>
    %dma_start3A_228 = tpu.memref_squeeze %dma_start3A_227 : memref<1x1x1x224x224xf32, #tpu.memory_space<vmem_shared>> -> memref<1x224x224xf32, #tpu.memory_space<vmem_shared>>
    %dma_start3A_229 = arith.constant 0 : i32
    %dma_start3A_230 = arith.constant 0 : i32
    %dma_start3A_231 = tpu.memref_slice %arg2[%squeeze3A, %dma_start3A_229, %dma_start3A_230] : memref<768x224x224xf32, #tpu.memory_space<hbm>> -> memref<1x224x224xf32, #tpu.memory_space<hbm>>
    tpu.enqueue_dma source(%dma_start3A_231 : memref<1x224x224xf32, #tpu.memory_space<hbm>>) target(%dma_start3A_228 : memref<1x224x224xf32, #tpu.memory_space<vmem_shared>>) target_semaphore(%arg9 : memref<!tpu.dma_semaphore, #tpu.memory_space<semaphore_mem>>)
    %get3A_232 = arith.constant 8 : index
    %get3A_233 = tpu.vector_load %arg7[%get3A_232] {strides = array<i32>} : memref<256xi32, #tpu.memory_space<vmem>>, vector<16xi32>,
    %slice3A_234 = vector.extract_strided_slice %get3A_233 {offsets = [0], sizes = [1], strides = [1]} : vector<16xi32> to vector<1xi32>
    %squeeze3A_235 = vector.extract %slice3A_234[0] : i32 from vector<1xi32>
    %dma_start3A_236 = arith.constant 1 : i32
    %dma_start3A_237 = arith.constant 0 : i32
    %dma_start3A_238 = arith.constant 0 : i32
    %dma_start3A_239 = arith.constant 0 : i32
    %dma_start3A_240 = tpu.memref_slice %arg8[%arg1, %dma_start3A_236, %dma_start3A_237, %dma_start3A_238, %dma_start3A_239] : memref<16x2x1x224x224xf32, #tpu.memory_space<vmem_shared>> -> memref<1x1x1x224x224xf32, #tpu.memory_space<vmem_shared>>
    %dma_start3A_241 = tpu.memref_squeeze %dma_start3A_240 : memref<1x1x1x224x224xf32, #tpu.memory_space<vmem_shared>> -> memref<1x224x224xf32, #tpu.memory_space<vmem_shared>>
    %dma_start3A_242 = arith.constant 0 : i32
    %dma_start3A_243 = arith.constant 0 : i32
    %dma_start3A_244 = tpu.memref_slice %arg2[%squeeze3A_235, %dma_start3A_242, %dma_start3A_243] : memref<768x224x224xf32, #tpu.memory_space<hbm>> -> memref<1x224x224xf32, #tpu.memory_space<hbm>>
    tpu.enqueue_dma source(%dma_start3A_244 : memref<1x224x224xf32, #tpu.memory_space<hbm>>) target(%dma_start3A_241 : memref<1x224x224xf32, #tpu.memory_space<vmem_shared>>) target_semaphore(%arg10 : memref<!tpu.dma_semaphore, #tpu.memory_space<semaphore_mem>>)
    %dma_wait3A = arith.constant 0 : i32
    %dma_wait3A_245 = arith.constant 0 : i32
    %dma_wait3A_246 = arith.constant 0 : i32
    %dma_wait3A_247 = arith.constant 0 : i32
    %dma_wait3A_248 = tpu.memref_slice %arg8[%arg1, %dma_wait3A, %dma_wait3A_245, %dma_wait3A_246, %dma_wait3A_247] : memref<16x2x1x224x224xf32, #tpu.memory_space<vmem_shared>> -> memref<1x1x1x224x224xf32, #tpu.memory_space<vmem_shared>>
    %dma_wait3A_249 = tpu.memref_squeeze %dma_wait3A_248 : memref<1x1x1x224x224xf32, #tpu.memory_space<vmem_shared>> -> memref<1x224x224xf32, #tpu.memory_space<vmem_shared>>
    %dma_wait3A_250 = arith.constant 0 : i32
    %dma_wait3A_251 = arith.constant 0 : i32
    %dma_wait3A_252 = tpu.memref_slice %arg2[%squeeze3A, %dma_wait3A_250, %dma_wait3A_251] : memref<768x224x224xf32, #tpu.memory_space<hbm>> -> memref<1x224x224xf32, #tpu.memory_space<hbm>>
    tpu.wait_dma2 semaphore(%arg9 : memref<!tpu.dma_semaphore, #tpu.memory_space<semaphore_mem>>) src(%dma_wait3A_252 : memref<1x224x224xf32, #tpu.memory_space<hbm>>) dst(%dma_wait3A_249 : memref<1x224x224xf32, #tpu.memory_space<vmem_shared>>)
    %add3A_253 = arith.constant 0 : i32
    %add3A_254 = arith.addi %mul3A_2, %add3A_253 : i32
    %dma_start3A_255 = arith.constant 0 : i32
    %dma_start3A_256 = arith.constant 0 : i32
    %dma_start3A_257 = arith.constant 0 : i32
    %dma_start3A_258 = tpu.memref_slice %arg4[%add3A_254, %dma_start3A_256, %dma_start3A_257] : memref<768x224x224xf32, #tpu.memory_space<hbm>> -> memref<1x224x224xf32, #tpu.memory_space<hbm>>
    %dma_start3A_259 = arith.constant 0 : i32
    %dma_start3A_260 = arith.constant 0 : i32
    %dma_start3A_261 = arith.constant 0 : i32
    %dma_start3A_262 = tpu.memref_slice %arg8[%arg1, %dma_start3A_255, %dma_start3A_259, %dma_start3A_260, %dma_start3A_261] : memref<16x2x1x224x224xf32, #tpu.memory_space<vmem_shared>> -> memref<1x1x1x224x224xf32, #tpu.memory_space<vmem_shared>>
    %dma_start3A_263 = tpu.memref_squeeze %dma_start3A_262 : memref<1x1x1x224x224xf32, #tpu.memory_space<vmem_shared>> -> memref<1x224x224xf32, #tpu.memory_space<vmem_shared>>
    tpu.enqueue_dma source(%dma_start3A_263 : memref<1x224x224xf32, #tpu.memory_space<vmem_shared>>) target(%dma_start3A_258 : memref<1x224x224xf32, #tpu.memory_space<hbm>>) target_semaphore(%arg11 : memref<!tpu.dma_semaphore, #tpu.memory_space<semaphore_mem>>)
    %dma_wait3A_264 = arith.constant 0 : i32
    %dma_wait3A_265 = arith.constant 0 : i32
    %dma_wait3A_266 = arith.constant 0 : i32
    %dma_wait3A_267 = tpu.memref_slice %arg4[%add3A_254, %dma_wait3A_265, %dma_wait3A_266] : memref<768x224x224xf32, #tpu.memory_space<hbm>> -> memref<1x224x224xf32, #tpu.memory_space<hbm>>
    %dma_wait3A_268 = arith.constant 0 : i32
    %dma_wait3A_269 = arith.constant 0 : i32
    %dma_wait3A_270 = arith.constant 0 : i32
    %dma_wait3A_271 = tpu.memref_slice %arg8[%arg1, %dma_wait3A_264, %dma_wait3A_268, %dma_wait3A_269, %dma_wait3A_270] : memref<16x2x1x224x224xf32, #tpu.memory_space<vmem_shared>> -> memref<1x1x1x224x224xf32, #tpu.memory_space<vmem_shared>>
    %dma_wait3A_272 = tpu.memref_squeeze %dma_wait3A_271 : memref<1x1x1x224x224xf32, #tpu.memory_space<vmem_shared>> -> memref<1x224x224xf32, #tpu.memory_space<vmem_shared>>
    tpu.wait_dma2 semaphore(%arg11 : memref<!tpu.dma_semaphore, #tpu.memory_space<semaphore_mem>>) src(%dma_wait3A_272 : memref<1x224x224xf32, #tpu.memory_space<vmem_shared>>) dst(%dma_wait3A_267 : memref<1x224x224xf32, #tpu.memory_space<hbm>>)
    %get3A_273 = arith.constant 16 : index
    %get3A_274 = tpu.vector_load %arg7[%get3A_273] {strides = array<i32>} : memref<256xi32, #tpu.memory_space<vmem>>, vector<16xi32>,
    %slice3A_275 = vector.extract_strided_slice %get3A_274 {offsets = [0], sizes = [1], strides = [1]} : vector<16xi32> to vector<1xi32>
    %squeeze3A_276 = vector.extract %slice3A_275[0] : i32 from vector<1xi32>
    %dma_start3A_277 = arith.constant 0 : i32
    %dma_start3A_278 = arith.constant 0 : i32
    %dma_start3A_279 = arith.constant 0 : i32
    %dma_start3A_280 = arith.constant 0 : i32
    %dma_start3A_281 = tpu.memref_slice %arg8[%arg1, %dma_start3A_277, %dma_start3A_278, %dma_start3A_279, %dma_start3A_280] : memref<16x2x1x224x224xf32, #tpu.memory_space<vmem_shared>> -> memref<1x1x1x224x224xf32, #tpu.memory_space<vmem_shared>>
    %dma_start3A_282 = tpu.memref_squeeze %dma_start3A_281 : memref<1x1x1x224x224xf32, #tpu.memory_space<vmem_shared>> -> memref<1x224x224xf32, #tpu.memory_space<vmem_shared>>
    %dma_start3A_283 = arith.constant 0 : i32
    %dma_start3A_284 = arith.constant 0 : i32
    %dma_start3A_285 = tpu.memref_slice %arg2[%squeeze3A_276, %dma_start3A_283, %dma_start3A_284] : memref<768x224x224xf32, #tpu.memory_space<hbm>> -> memref<1x224x224xf32, #tpu.memory_space<hbm>>
    tpu.enqueue_dma source(%dma_start3A_285 : memref<1x224x224xf32, #tpu.memory_space<hbm>>) target(%dma_start3A_282 : memref<1x224x224xf32, #tpu.memory_space<vmem_shared>>) target_semaphore(%arg9 : memref<!tpu.dma_semaphore, #tpu.memory_space<semaphore_mem>>)
    %dma_wait3A_286 = arith.constant 1 : i32
    %dma_wait3A_287 = arith.constant 0 : i32
    %dma_wait3A_288 = arith.constant 0 : i32
    %dma_wait3A_289 = arith.constant 0 : i32
    %dma_wait3A_290 = tpu.memref_slice %arg8[%arg1, %dma_wait3A_286, %dma_wait3A_287, %dma_wait3A_288, %dma_wait3A_289] : memref<16x2x1x224x224xf32, #tpu.memory_space<vmem_shared>> -> memref<1x1x1x224x224xf32, #tpu.memory_space<vmem_shared>>
    %dma_wait3A_291 = tpu.memref_squeeze %dma_wait3A_290 : memref<1x1x1x224x224xf32, #tpu.memory_space<vmem_shared>> -> memref<1x224x224xf32, #tpu.memory_space<vmem_shared>>
    %dma_wait3A_292 = arith.constant 0 : i32
    %dma_wait3A_293 = arith.constant 0 : i32
    %dma_wait3A_294 = tpu.memref_slice %arg2[%squeeze3A_235, %dma_wait3A_292, %dma_wait3A_293] : memref<768x224x224xf32, #tpu.memory_space<hbm>> -> memref<1x224x224xf32, #tpu.memory_space<hbm>>
    tpu.wait_dma2 semaphore(%arg10 : memref<!tpu.dma_semaphore, #tpu.memory_space<semaphore_mem>>) src(%dma_wait3A_294 : memref<1x224x224xf32, #tpu.memory_space<hbm>>) dst(%dma_wait3A_291 : memref<1x224x224xf32, #tpu.memory_space<vmem_shared>>)
    %add3A_295 = arith.constant 1 : i32
    %add3A_296 = arith.addi %mul3A_2, %add3A_295 : i32
    %dma_start3A_297 = arith.constant 1 : i32
    %dma_start3A_298 = arith.constant 0 : i32
    %dma_start3A_299 = arith.constant 0 : i32
    %dma_start3A_300 = tpu.memref_slice %arg4[%add3A_296, %dma_start3A_298, %dma_start3A_299] : memref<768x224x224xf32, #tpu.memory_space<hbm>> -> memref<1x224x224xf32, #tpu.memory_space<hbm>>
    %dma_start3A_301 = arith.constant 0 : i32
    %dma_start3A_302 = arith.constant 0 : i32
    %dma_start3A_303 = arith.constant 0 : i32
    %dma_start3A_304 = tpu.memref_slice %arg8[%arg1, %dma_start3A_297, %dma_start3A_301, %dma_start3A_302, %dma_start3A_303] : memref<16x2x1x224x224xf32, #tpu.memory_space<vmem_shared>> -> memref<1x1x1x224x224xf32, #tpu.memory_space<vmem_shared>>
    %dma_start3A_305 = tpu.memref_squeeze %dma_start3A_304 : memref<1x1x1x224x224xf32, #tpu.memory_space<vmem_shared>> -> memref<1x224x224xf32, #tpu.memory_space<vmem_shared>>
    tpu.enqueue_dma source(%dma_start3A_305 : memref<1x224x224xf32, #tpu.memory_space<vmem_shared>>) target(%dma_start3A_300 : memref<1x224x224xf32, #tpu.memory_space<hbm>>) target_semaphore(%arg12 : memref<!tpu.dma_semaphore, #tpu.memory_space<semaphore_mem>>)
    %dma_wait3A_306 = arith.constant 1 : i32
    %dma_wait3A_307 = arith.constant 0 : i32
    %dma_wait3A_308 = arith.constant 0 : i32
    %dma_wait3A_309 = tpu.memref_slice %arg4[%add3A_296, %dma_wait3A_307, %dma_wait3A_308] : memref<768x224x224xf32, #tpu.memory_space<hbm>> -> memref<1x224x224xf32, #tpu.memory_space<hbm>>
    %dma_wait3A_310 = arith.constant 0 : i32
    %dma_wait3A_311 = arith.constant 0 : i32
    %dma_wait3A_312 = arith.constant 0 : i32
    %dma_wait3A_313 = tpu.memref_slice %arg8[%arg1, %dma_wait3A_306, %dma_wait3A_310, %dma_wait3A_311, %dma_wait3A_312] : memref<16x2x1x224x224xf32, #tpu.memory_space<vmem_shared>> -> memref<1x1x1x224x224xf32, #tpu.memory_space<vmem_shared>>
    %dma_wait3A_314 = tpu.memref_squeeze %dma_wait3A_313 : memref<1x1x1x224x224xf32, #tpu.memory_space<vmem_shared>> -> memref<1x224x224xf32, #tpu.memory_space<vmem_shared>>
    tpu.wait_dma2 semaphore(%arg12 : memref<!tpu.dma_semaphore, #tpu.memory_space<semaphore_mem>>) src(%dma_wait3A_314 : memref<1x224x224xf32, #tpu.memory_space<vmem_shared>>) dst(%dma_wait3A_309 : memref<1x224x224xf32, #tpu.memory_space<hbm>>)
    %get3A_315 = arith.constant 24 : index
    %get3A_316 = tpu.vector_load %arg7[%get3A_315] {strides = array<i32>} : memref<256xi32, #tpu.memory_space<vmem>>, vector<16xi32>,
    %slice3A_317 = vector.extract_strided_slice %get3A_316 {offsets = [0], sizes = [1], strides = [1]} : vector<16xi32> to vector<1xi32>
    %squeeze3A_318 = vector.extract %slice3A_317[0] : i32 from vector<1xi32>
    %dma_start3A_319 = arith.constant 1 : i32
    %dma_start3A_320 = arith.constant 0 : i32
    %dma_start3A_321 = arith.constant 0 : i32
    %dma_start3A_322 = arith.constant 0 : i32
    %dma_start3A_323 = tpu.memref_slice %arg8[%arg1, %dma_start3A_319, %dma_start3A_320, %dma_start3A_321, %dma_start3A_322] : memref<16x2x1x224x224xf32, #tpu.memory_space<vmem_shared>> -> memref<1x1x1x224x224xf32, #tpu.memory_space<vmem_shared>>
    %dma_start3A_324 = tpu.memref_squeeze %dma_start3A_323 : memref<1x1x1x224x224xf32, #tpu.memory_space<vmem_shared>> -> memref<1x224x224xf32, #tpu.memory_space<vmem_shared>>
    %dma_start3A_325 = arith.constant 0 : i32
    %dma_start3A_326 = arith.constant 0 : i32
    %dma_start3A_327 = tpu.memref_slice %arg2[%squeeze3A_318, %dma_start3A_325, %dma_start3A_326] : memref<768x224x224xf32, #tpu.memory_space<hbm>> -> memref<1x224x224xf32, #tpu.memory_space<hbm>>
    tpu.enqueue_dma source(%dma_start3A_327 : memref<1x224x224xf32, #tpu.memory_space<hbm>>) target(%dma_start3A_324 : memref<1x224x224xf32, #tpu.memory_space<vmem_shared>>) target_semaphore(%arg10 : memref<!tpu.dma_semaphore, #tpu.memory_space<semaphore_mem>>)
    %dma_wait3A_328 = arith.constant 0 : i32
    %dma_wait3A_329 = arith.constant 0 : i32
    %dma_wait3A_330 = arith.constant 0 : i32
    %dma_wait3A_331 = arith.constant 0 : i32
    %dma_wait3A_332 = tpu.memref_slice %arg8[%arg1, %dma_wait3A_328, %dma_wait3A_329, %dma_wait3A_330, %dma_wait3A_331] : memref<16x2x1x224x224xf32, #tpu.memory_space<vmem_shared>> -> memref<1x1x1x224x224xf32, #tpu.memory_space<vmem_shared>>
    %dma_wait3A_333 = tpu.memref_squeeze %dma_wait3A_332 : memref<1x1x1x224x224xf32, #tpu.memory_space<vmem_shared>> -> memref<1x224x224xf32, #tpu.memory_space<vmem_shared>>
    %dma_wait3A_334 = arith.constant 0 : i32
    %dma_wait3A_335 = arith.constant 0 : i32
    %dma_wait3A_336 = tpu.memref_slice %arg2[%squeeze3A_276, %dma_wait3A_334, %dma_wait3A_335] : memref<768x224x224xf32, #tpu.memory_space<hbm>> -> memref<1x224x224xf32, #tpu.memory_space<hbm>>
    tpu.wait_dma2 semaphore(%arg9 : memref<!tpu.dma_semaphore, #tpu.memory_space<semaphore_mem>>) src(%dma_wait3A_336 : memref<1x224x224xf32, #tpu.memory_space<hbm>>) dst(%dma_wait3A_333 : memref<1x224x224xf32, #tpu.memory_space<vmem_shared>>)
    %add3A_337 = arith.constant 2 : i32
    %add3A_338 = arith.addi %mul3A_2, %add3A_337 : i32
    %dma_start3A_339 = arith.constant 0 : i32
    %dma_start3A_340 = arith.constant 0 : i32
    %dma_start3A_341 = arith.constant 0 : i32
    %dma_start3A_342 = tpu.memref_slice %arg4[%add3A_338, %dma_start3A_340, %dma_start3A_341] : memref<768x224x224xf32, #tpu.memory_space<hbm>> -> memref<1x224x224xf32, #tpu.memory_space<hbm>>
    %dma_start3A_343 = arith.constant 0 : i32
    %dma_start3A_344 = arith.constant 0 : i32
    %dma_start3A_345 = arith.constant 0 : i32
    %dma_start3A_346 = tpu.memref_slice %arg8[%arg1, %dma_start3A_339, %dma_start3A_343, %dma_start3A_344, %dma_start3A_345] : memref<16x2x1x224x224xf32, #tpu.memory_space<vmem_shared>> -> memref<1x1x1x224x224xf32, #tpu.memory_space<vmem_shared>>
    %dma_start3A_347 = tpu.memref_squeeze %dma_start3A_346 : memref<1x1x1x224x224xf32, #tpu.memory_space<vmem_shared>> -> memref<1x224x224xf32, #tpu.memory_space<vmem_shared>>
    tpu.enqueue_dma source(%dma_start3A_347 : memref<1x224x224xf32, #tpu.memory_space<vmem_shared>>) target(%dma_start3A_342 : memref<1x224x224xf32, #tpu.memory_space<hbm>>) target_semaphore(%arg11 : memref<!tpu.dma_semaphore, #tpu.memory_space<semaphore_mem>>)
    %dma_wait3A_348 = arith.constant 0 : i32
    %dma_wait3A_349 = arith.constant 0 : i32
    %dma_wait3A_350 = arith.constant 0 : i32
    %dma_wait3A_351 = tpu.memref_slice %arg4[%add3A_338, %dma_wait3A_349, %dma_wait3A_350] : memref<768x224x224xf32, #tpu.memory_space<hbm>> -> memref<1x224x224xf32, #tpu.memory_space<hbm>>
    %dma_wait3A_352 = arith.constant 0 : i32
    %dma_wait3A_353 = arith.constant 0 : i32
    %dma_wait3A_354 = arith.constant 0 : i32
    %dma_wait3A_355 = tpu.memref_slice %arg8[%arg1, %dma_wait3A_348, %dma_wait3A_352, %dma_wait3A_353, %dma_wait3A_354] : memref<16x2x1x224x224xf32, #tpu.memory_space<vmem_shared>> -> memref<1x1x1x224x224xf32, #tpu.memory_space<vmem_shared>>
    %dma_wait3A_356 = tpu.memref_squeeze %dma_wait3A_355 : memref<1x1x1x224x224xf32, #tpu.memory_space<vmem_shared>> -> memref<1x224x224xf32, #tpu.memory_space<vmem_shared>>
    tpu.wait_dma2 semaphore(%arg11 : memref<!tpu.dma_semaphore, #tpu.memory_space<semaphore_mem>>) src(%dma_wait3A_356 : memref<1x224x224xf32, #tpu.memory_space<vmem_shared>>) dst(%dma_wait3A_351 : memref<1x224x224xf32, #tpu.memory_space<hbm>>)
    %get3A_357 = arith.constant 32 : index
    %get3A_358 = tpu.vector_load %arg7[%get3A_357] {strides = array<i32>} : memref<256xi32, #tpu.memory_space<vmem>>, vector<16xi32>,
    %slice3A_359 = vector.extract_strided_slice %get3A_358 {offsets = [0], sizes = [1], strides = [1]} : vector<16xi32> to vector<1xi32>
    %squeeze3A_360 = vector.extract %slice3A_359[0] : i32 from vector<1xi32>
    %dma_start3A_361 = arith.constant 0 : i32
    %dma_start3A_362 = arith.constant 0 : i32
    %dma_start3A_363 = arith.constant 0 : i32
    %dma_start3A_364 = arith.constant 0 : i32
    %dma_start3A_365 = tpu.memref_slice %arg8[%arg1, %dma_start3A_361, %dma_start3A_362, %dma_start3A_363, %dma_start3A_364] : memref<16x2x1x224x224xf32, #tpu.memory_space<vmem_shared>> -> memref<1x1x1x224x224xf32, #tpu.memory_space<vmem_shared>>
    %dma_start3A_366 = tpu.memref_squeeze %dma_start3A_365 : memref<1x1x1x224x224xf32, #tpu.memory_space<vmem_shared>> -> memref<1x224x224xf32, #tpu.memory_space<vmem_shared>>
    %dma_start3A_367 = arith.constant 0 : i32
    %dma_start3A_368 = arith.constant 0 : i32
    %dma_start3A_369 = tpu.memref_slice %arg2[%squeeze3A_360, %dma_start3A_367, %dma_start3A_368] : memref<768x224x224xf32, #tpu.memory_space<hbm>> -> memref<1x224x224xf32, #tpu.memory_space<hbm>>
    tpu.enqueue_dma source(%dma_start3A_369 : memref<1x224x224xf32, #tpu.memory_space<hbm>>) target(%dma_start3A_366 : memref<1x224x224xf32, #tpu.memory_space<vmem_shared>>) target_semaphore(%arg9 : memref<!tpu.dma_semaphore, #tpu.memory_space<semaphore_mem>>)
    %dma_wait3A_370 = arith.constant 1 : i32
    %dma_wait3A_371 = arith.constant 0 : i32
    %dma_wait3A_372 = arith.constant 0 : i32
    %dma_wait3A_373 = arith.constant 0 : i32
    %dma_wait3A_374 = tpu.memref_slice %arg8[%arg1, %dma_wait3A_370, %dma_wait3A_371, %dma_wait3A_372, %dma_wait3A_373] : memref<16x2x1x224x224xf32, #tpu.memory_space<vmem_shared>> -> memref<1x1x1x224x224xf32, #tpu.memory_space<vmem_shared>>
    %dma_wait3A_375 = tpu.memref_squeeze %dma_wait3A_374 : memref<1x1x1x224x224xf32, #tpu.memory_space<vmem_shared>> -> memref<1x224x224xf32, #tpu.memory_space<vmem_shared>>
    %dma_wait3A_376 = arith.constant 0 : i32
    %dma_wait3A_377 = arith.constant 0 : i32
    %dma_wait3A_378 = tpu.memref_slice %arg2[%squeeze3A_318, %dma_wait3A_376, %dma_wait3A_377] : memref<768x224x224xf32, #tpu.memory_space<hbm>> -> memref<1x224x224xf32, #tpu.memory_space<hbm>>
    tpu.wait_dma2 semaphore(%arg10 : memref<!tpu.dma_semaphore, #tpu.memory_space<semaphore_mem>>) src(%dma_wait3A_378 : memref<1x224x224xf32, #tpu.memory_space<hbm>>) dst(%dma_wait3A_375 : memref<1x224x224xf32, #tpu.memory_space<vmem_shared>>)
    %add3A_379 = arith.constant 3 : i32
    %add3A_380 = arith.addi %mul3A_2, %add3A_379 : i32
    %dma_start3A_381 = arith.constant 1 : i32
    %dma_start3A_382 = arith.constant 0 : i32
    %dma_start3A_383 = arith.constant 0 : i32
    %dma_start3A_384 = tpu.memref_slice %arg4[%add3A_380, %dma_start3A_382, %dma_start3A_383] : memref<768x224x224xf32, #tpu.memory_space<hbm>> -> memref<1x224x224xf32, #tpu.memory_space<hbm>>
    %dma_start3A_385 = arith.constant 0 : i32
    %dma_start3A_386 = arith.constant 0 : i32
    %dma_start3A_387 = arith.constant 0 : i32
    %dma_start3A_388 = tpu.memref_slice %arg8[%arg1, %dma_start3A_381, %dma_start3A_385, %dma_start3A_386, %dma_start3A_387] : memref<16x2x1x224x224xf32, #tpu.memory_space<vmem_shared>> -> memref<1x1x1x224x224xf32, #tpu.memory_space<vmem_shared>>
    %dma_start3A_389 = tpu.memref_squeeze %dma_start3A_388 : memref<1x1x1x224x224xf32, #tpu.memory_space<vmem_shared>> -> memref<1x224x224xf32, #tpu.memory_space<vmem_shared>>
    tpu.enqueue_dma source(%dma_start3A_389 : memref<1x224x224xf32, #tpu.memory_space<vmem_shared>>) target(%dma_start3A_384 : memref<1x224x224xf32, #tpu.memory_space<hbm>>) target_semaphore(%arg12 : memref<!tpu.dma_semaphore, #tpu.memory_space<semaphore_mem>>)
    %dma_wait3A_390 = arith.constant 1 : i32
    %dma_wait3A_391 = arith.constant 0 : i32
    %dma_wait3A_392 = arith.constant 0 : i32
    %dma_wait3A_393 = tpu.memref_slice %arg4[%add3A_380, %dma_wait3A_391, %dma_wait3A_392] : memref<768x224x224xf32, #tpu.memory_space<hbm>> -> memref<1x224x224xf32, #tpu.memory_space<hbm>>
    %dma_wait3A_394 = arith.constant 0 : i32
    %dma_wait3A_395 = arith.constant 0 : i32
    %dma_wait3A_396 = arith.constant 0 : i32
    %dma_wait3A_397 = tpu.memref_slice %arg8[%arg1, %dma_wait3A_390, %dma_wait3A_394, %dma_wait3A_395, %dma_wait3A_396] : memref<16x2x1x224x224xf32, #tpu.memory_space<vmem_shared>> -> memref<1x1x1x224x224xf32, #tpu.memory_space<vmem_shared>>
    %dma_wait3A_398 = tpu.memref_squeeze %dma_wait3A_397 : memref<1x1x1x224x224xf32, #tpu.memory_space<vmem_shared>> -> memref<1x224x224xf32, #tpu.memory_space<vmem_shared>>
    tpu.wait_dma2 semaphore(%arg12 : memref<!tpu.dma_semaphore, #tpu.memory_space<semaphore_mem>>) src(%dma_wait3A_398 : memref<1x224x224xf32, #tpu.memory_space<vmem_shared>>) dst(%dma_wait3A_393 : memref<1x224x224xf32, #tpu.memory_space<hbm>>)
    %get3A_399 = arith.constant 40 : index
    %get3A_400 = tpu.vector_load %arg7[%get3A_399] {strides = array<i32>} : memref<256xi32, #tpu.memory_space<vmem>>, vector<16xi32>,
    %slice3A_401 = vector.extract_strided_slice %get3A_400 {offsets = [0], sizes = [1], strides = [1]} : vector<16xi32> to vector<1xi32>
    %squeeze3A_402 = vector.extract %slice3A_401[0] : i32 from vector<1xi32>
    %dma_start3A_403 = arith.constant 1 : i32
    %dma_start3A_404 = arith.constant 0 : i32
    %dma_start3A_405 = arith.constant 0 : i32
    %dma_start3A_406 = arith.constant 0 : i32
    %dma_start3A_407 = tpu.memref_slice %arg8[%arg1, %dma_start3A_403, %dma_start3A_404, %dma_start3A_405, %dma_start3A_406] : memref<16x2x1x224x224xf32, #tpu.memory_space<vmem_shared>> -> memref<1x1x1x224x224xf32, #tpu.memory_space<vmem_shared>>
    %dma_start3A_408 = tpu.memref_squeeze %dma_start3A_407 : memref<1x1x1x224x224xf32, #tpu.memory_space<vmem_shared>> -> memref<1x224x224xf32, #tpu.memory_space<vmem_shared>>
    %dma_start3A_409 = arith.constant 0 : i32
    %dma_start3A_410 = arith.constant 0 : i32
    %dma_start3A_411 = tpu.memref_slice %arg2[%squeeze3A_402, %dma_start3A_409, %dma_start3A_410] : memref<768x224x224xf32, #tpu.memory_space<hbm>> -> memref<1x224x224xf32, #tpu.memory_space<hbm>>
    tpu.enqueue_dma source(%dma_start3A_411 : memref<1x224x224xf32, #tpu.memory_space<hbm>>) target(%dma_start3A_408 : memref<1x224x224xf32, #tpu.memory_space<vmem_shared>>) target_semaphore(%arg10 : memref<!tpu.dma_semaphore, #tpu.memory_space<semaphore_mem>>)
    %dma_wait3A_412 = arith.constant 0 : i32
    %dma_wait3A_413 = arith.constant 0 : i32
    %dma_wait3A_414 = arith.constant 0 : i32
    %dma_wait3A_415 = arith.constant 0 : i32
    %dma_wait3A_416 = tpu.memref_slice %arg8[%arg1, %dma_wait3A_412, %dma_wait3A_413, %dma_wait3A_414, %dma_wait3A_415] : memref<16x2x1x224x224xf32, #tpu.memory_space<vmem_shared>> -> memref<1x1x1x224x224xf32, #tpu.memory_space<vmem_shared>>
    %dma_wait3A_417 = tpu.memref_squeeze %dma_wait3A_416 : memref<1x1x1x224x224xf32, #tpu.memory_space<vmem_shared>> -> memref<1x224x224xf32, #tpu.memory_space<vmem_shared>>
    %dma_wait3A_418 = arith.constant 0 : i32
    %dma_wait3A_419 = arith.constant 0 : i32
    %dma_wait3A_420 = tpu.memref_slice %arg2[%squeeze3A_360, %dma_wait3A_418, %dma_wait3A_419] : memref<768x224x224xf32, #tpu.memory_space<hbm>> -> memref<1x224x224xf32, #tpu.memory_space<hbm>>
    tpu.wait_dma2 semaphore(%arg9 : memref<!tpu.dma_semaphore, #tpu.memory_space<semaphore_mem>>) src(%dma_wait3A_420 : memref<1x224x224xf32, #tpu.memory_space<hbm>>) dst(%dma_wait3A_417 : memref<1x224x224xf32, #tpu.memory_space<vmem_shared>>)
    %add3A_421 = arith.constant 4 : i32
    %add3A_422 = arith.addi %mul3A_2, %add3A_421 : i32
    %dma_start3A_423 = arith.constant 0 : i32
    %dma_start3A_424 = arith.constant 0 : i32
    %dma_start3A_425 = arith.constant 0 : i32
    %dma_start3A_426 = tpu.memref_slice %arg4[%add3A_422, %dma_start3A_424, %dma_start3A_425] : memref<768x224x224xf32, #tpu.memory_space<hbm>> -> memref<1x224x224xf32, #tpu.memory_space<hbm>>
    %dma_start3A_427 = arith.constant 0 : i32
    %dma_start3A_428 = arith.constant 0 : i32
    %dma_start3A_429 = arith.constant 0 : i32
    %dma_start3A_430 = tpu.memref_slice %arg8[%arg1, %dma_start3A_423, %dma_start3A_427, %dma_start3A_428, %dma_start3A_429] : memref<16x2x1x224x224xf32, #tpu.memory_space<vmem_shared>> -> memref<1x1x1x224x224xf32, #tpu.memory_space<vmem_shared>>
    %dma_start3A_431 = tpu.memref_squeeze %dma_start3A_430 : memref<1x1x1x224x224xf32, #tpu.memory_space<vmem_shared>> -> memref<1x224x224xf32, #tpu.memory_space<vmem_shared>>
    tpu.enqueue_dma source(%dma_start3A_431 : memref<1x224x224xf32, #tpu.memory_space<vmem_shared>>) target(%dma_start3A_426 : memref<1x224x224xf32, #tpu.memory_space<hbm>>) target_semaphore(%arg11 : memref<!tpu.dma_semaphore, #tpu.memory_space<semaphore_mem>>)
    %dma_wait3A_432 = arith.constant 0 : i32
    %dma_wait3A_433 = arith.constant 0 : i32
    %dma_wait3A_434 = arith.constant 0 : i32
    %dma_wait3A_435 = tpu.memref_slice %arg4[%add3A_422, %dma_wait3A_433, %dma_wait3A_434] : memref<768x224x224xf32, #tpu.memory_space<hbm>> -> memref<1x224x224xf32, #tpu.memory_space<hbm>>
    %dma_wait3A_436 = arith.constant 0 : i32
    %dma_wait3A_437 = arith.constant 0 : i32
    %dma_wait3A_438 = arith.constant 0 : i32
    %dma_wait3A_439 = tpu.memref_slice %arg8[%arg1, %dma_wait3A_432, %dma_wait3A_436, %dma_wait3A_437, %dma_wait3A_438] : memref<16x2x1x224x224xf32, #tpu.memory_space<vmem_shared>> -> memref<1x1x1x224x224xf32, #tpu.memory_space<vmem_shared>>
    %dma_wait3A_440 = tpu.memref_squeeze %dma_wait3A_439 : memref<1x1x1x224x224xf32, #tpu.memory_space<vmem_shared>> -> memref<1x224x224xf32, #tpu.memory_space<vmem_shared>>
    tpu.wait_dma2 semaphore(%arg11 : memref<!tpu.dma_semaphore, #tpu.memory_space<semaphore_mem>>) src(%dma_wait3A_440 : memref<1x224x224xf32, #tpu.memory_space<vmem_shared>>) dst(%dma_wait3A_435 : memref<1x224x224xf32, #tpu.memory_space<hbm>>)
    %get3A_441 = arith.constant 48 : index
    %get3A_442 = tpu.vector_load %arg7[%get3A_441] {strides = array<i32>} : memref<256xi32, #tpu.memory_space<vmem>>, vector<16xi32>,
    %slice3A_443 = vector.extract_strided_slice %get3A_442 {offsets = [0], sizes = [1], strides = [1]} : vector<16xi32> to vector<1xi32>
    %squeeze3A_444 = vector.extract %slice3A_443[0] : i32 from vector<1xi32>
    %dma_start3A_445 = arith.constant 0 : i32
    %dma_start3A_446 = arith.constant 0 : i32
    %dma_start3A_447 = arith.constant 0 : i32
    %dma_start3A_448 = arith.constant 0 : i32
    %dma_start3A_449 = tpu.memref_slice %arg8[%arg1, %dma_start3A_445, %dma_start3A_446, %dma_start3A_447, %dma_start3A_448] : memref<16x2x1x224x224xf32, #tpu.memory_space<vmem_shared>> -> memref<1x1x1x224x224xf32, #tpu.memory_space<vmem_shared>>
    %dma_start3A_450 = tpu.memref_squeeze %dma_start3A_449 : memref<1x1x1x224x224xf32, #tpu.memory_space<vmem_shared>> -> memref<1x224x224xf32, #tpu.memory_space<vmem_shared>>
    %dma_start3A_451 = arith.constant 0 : i32
    %dma_start3A_452 = arith.constant 0 : i32
    %dma_start3A_453 = tpu.memref_slice %arg2[%squeeze3A_444, %dma_start3A_451, %dma_start3A_452] : memref<768x224x224xf32, #tpu.memory_space<hbm>> -> memref<1x224x224xf32, #tpu.memory_space<hbm>>
    tpu.enqueue_dma source(%dma_start3A_453 : memref<1x224x224xf32, #tpu.memory_space<hbm>>) target(%dma_start3A_450 : memref<1x224x224xf32, #tpu.memory_space<vmem_shared>>) target_semaphore(%arg9 : memref<!tpu.dma_semaphore, #tpu.memory_space<semaphore_mem>>)
    %dma_wait3A_454 = arith.constant 1 : i32
    %dma_wait3A_455 = arith.constant 0 : i32
    %dma_wait3A_456 = arith.constant 0 : i32
    %dma_wait3A_457 = arith.constant 0 : i32
    %dma_wait3A_458 = tpu.memref_slice %arg8[%arg1, %dma_wait3A_454, %dma_wait3A_455, %dma_wait3A_456, %dma_wait3A_457] : memref<16x2x1x224x224xf32, #tpu.memory_space<vmem_shared>> -> memref<1x1x1x224x224xf32, #tpu.memory_space<vmem_shared>>
    %dma_wait3A_459 = tpu.memref_squeeze %dma_wait3A_458 : memref<1x1x1x224x224xf32, #tpu.memory_space<vmem_shared>> -> memref<1x224x224xf32, #tpu.memory_space<vmem_shared>>
    %dma_wait3A_460 = arith.constant 0 : i32
    %dma_wait3A_461 = arith.constant 0 : i32
    %dma_wait3A_462 = tpu.memref_slice %arg2[%squeeze3A_402, %dma_wait3A_460, %dma_wait3A_461] : memref<768x224x224xf32, #tpu.memory_space<hbm>> -> memref<1x224x224xf32, #tpu.memory_space<hbm>>
    tpu.wait_dma2 semaphore(%arg10 : memref<!tpu.dma_semaphore, #tpu.memory_space<semaphore_mem>>) src(%dma_wait3A_462 : memref<1x224x224xf32, #tpu.memory_space<hbm>>) dst(%dma_wait3A_459 : memref<1x224x224xf32, #tpu.memory_space<vmem_shared>>)
    %add3A_463 = arith.constant 5 : i32
    %add3A_464 = arith.addi %mul3A_2, %add3A_463 : i32
    %dma_start3A_465 = arith.constant 1 : i32
    %dma_start3A_466 = arith.constant 0 : i32
    %dma_start3A_467 = arith.constant 0 : i32
    %dma_start3A_468 = tpu.memref_slice %arg4[%add3A_464, %dma_start3A_466, %dma_start3A_467] : memref<768x224x224xf32, #tpu.memory_space<hbm>> -> memref<1x224x224xf32, #tpu.memory_space<hbm>>
    %dma_start3A_469 = arith.constant 0 : i32
    %dma_start3A_470 = arith.constant 0 : i32
    %dma_start3A_471 = arith.constant 0 : i32
    %dma_start3A_472 = tpu.memref_slice %arg8[%arg1, %dma_start3A_465, %dma_start3A_469, %dma_start3A_470, %dma_start3A_471] : memref<16x2x1x224x224xf32, #tpu.memory_space<vmem_shared>> -> memref<1x1x1x224x224xf32, #tpu.memory_space<vmem_shared>>
    %dma_start3A_473 = tpu.memref_squeeze %dma_start3A_472 : memref<1x1x1x224x224xf32, #tpu.memory_space<vmem_shared>> -> memref<1x224x224xf32, #tpu.memory_space<vmem_shared>>
    tpu.enqueue_dma source(%dma_start3A_473 : memref<1x224x224xf32, #tpu.memory_space<vmem_shared>>) target(%dma_start3A_468 : memref<1x224x224xf32, #tpu.memory_space<hbm>>) target_semaphore(%arg12 : memref<!tpu.dma_semaphore, #tpu.memory_space<semaphore_mem>>)
    %dma_wait3A_474 = arith.constant 1 : i32
    %dma_wait3A_475 = arith.constant 0 : i32
    %dma_wait3A_476 = arith.constant 0 : i32
    %dma_wait3A_477 = tpu.memref_slice %arg4[%add3A_464, %dma_wait3A_475, %dma_wait3A_476] : memref<768x224x224xf32, #tpu.memory_space<hbm>> -> memref<1x224x224xf32, #tpu.memory_space<hbm>>
    %dma_wait3A_478 = arith.constant 0 : i32
    %dma_wait3A_479 = arith.constant 0 : i32
    %dma_wait3A_480 = arith.constant 0 : i32
    %dma_wait3A_481 = tpu.memref_slice %arg8[%arg1, %dma_wait3A_474, %dma_wait3A_478, %dma_wait3A_479, %dma_wait3A_480] : memref<16x2x1x224x224xf32, #tpu.memory_space<vmem_shared>> -> memref<1x1x1x224x224xf32, #tpu.memory_space<vmem_shared>>
    %dma_wait3A_482 = tpu.memref_squeeze %dma_wait3A_481 : memref<1x1x1x224x224xf32, #tpu.memory_space<vmem_shared>> -> memref<1x224x224xf32, #tpu.memory_space<vmem_shared>>
    tpu.wait_dma2 semaphore(%arg12 : memref<!tpu.dma_semaphore, #tpu.memory_space<semaphore_mem>>) src(%dma_wait3A_482 : memref<1x224x224xf32, #tpu.memory_space<vmem_shared>>) dst(%dma_wait3A_477 : memref<1x224x224xf32, #tpu.memory_space<hbm>>)
    %get3A_483 = arith.constant 56 : index
    %get3A_484 = tpu.vector_load %arg7[%get3A_483] {strides = array<i32>} : memref<256xi32, #tpu.memory_space<vmem>>, vector<16xi32>,
    %slice3A_485 = vector.extract_strided_slice %get3A_484 {offsets = [0], sizes = [1], strides = [1]} : vector<16xi32> to vector<1xi32>
    %squeeze3A_486 = vector.extract %slice3A_485[0] : i32 from vector<1xi32>
    %dma_start3A_487 = arith.constant 1 : i32
    %dma_start3A_488 = arith.constant 0 : i32
    %dma_start3A_489 = arith.constant 0 : i32
    %dma_start3A_490 = arith.constant 0 : i32
    %dma_start3A_491 = tpu.memref_slice %arg8[%arg1, %dma_start3A_487, %dma_start3A_488, %dma_start3A_489, %dma_start3A_490] : memref<16x2x1x224x224xf32, #tpu.memory_space<vmem_shared>> -> memref<1x1x1x224x224xf32, #tpu.memory_space<vmem_shared>>
    %dma_start3A_492 = tpu.memref_squeeze %dma_start3A_491 : memref<1x1x1x224x224xf32, #tpu.memory_space<vmem_shared>> -> memref<1x224x224xf32, #tpu.memory_space<vmem_shared>>
    %dma_start3A_493 = arith.constant 0 : i32
    %dma_start3A_494 = arith.constant 0 : i32
    %dma_start3A_495 = tpu.memref_slice %arg2[%squeeze3A_486, %dma_start3A_493, %dma_start3A_494] : memref<768x224x224xf32, #tpu.memory_space<hbm>> -> memref<1x224x224xf32, #tpu.memory_space<hbm>>
    tpu.enqueue_dma source(%dma_start3A_495 : memref<1x224x224xf32, #tpu.memory_space<hbm>>) target(%dma_start3A_492 : memref<1x224x224xf32, #tpu.memory_space<vmem_shared>>) target_semaphore(%arg10 : memref<!tpu.dma_semaphore, #tpu.memory_space<semaphore_mem>>)
    %dma_wait3A_496 = arith.constant 0 : i32
    %dma_wait3A_497 = arith.constant 0 : i32
    %dma_wait3A_498 = arith.constant 0 : i32
    %dma_wait3A_499 = arith.constant 0 : i32
    %dma_wait3A_500 = tpu.memref_slice %arg8[%arg1, %dma_wait3A_496, %dma_wait3A_497, %dma_wait3A_498, %dma_wait3A_499] : memref<16x2x1x224x224xf32, #tpu.memory_space<vmem_shared>> -> memref<1x1x1x224x224xf32, #tpu.memory_space<vmem_shared>>
    %dma_wait3A_501 = tpu.memref_squeeze %dma_wait3A_500 : memref<1x1x1x224x224xf32, #tpu.memory_space<vmem_shared>> -> memref<1x224x224xf32, #tpu.memory_space<vmem_shared>>
    %dma_wait3A_502 = arith.constant 0 : i32
    %dma_wait3A_503 = arith.constant 0 : i32
    %dma_wait3A_504 = tpu.memref_slice %arg2[%squeeze3A_444, %dma_wait3A_502, %dma_wait3A_503] : memref<768x224x224xf32, #tpu.memory_space<hbm>> -> memref<1x224x224xf32, #tpu.memory_space<hbm>>
    tpu.wait_dma2 semaphore(%arg9 : memref<!tpu.dma_semaphore, #tpu.memory_space<semaphore_mem>>) src(%dma_wait3A_504 : memref<1x224x224xf32, #tpu.memory_space<hbm>>) dst(%dma_wait3A_501 : memref<1x224x224xf32, #tpu.memory_space<vmem_shared>>)
    %add3A_505 = arith.constant 6 : i32
    %add3A_506 = arith.addi %mul3A_2, %add3A_505 : i32
    %dma_start3A_507 = arith.constant 0 : i32
    %dma_start3A_508 = arith.constant 0 : i32
    %dma_start3A_509 = arith.constant 0 : i32
    %dma_start3A_510 = tpu.memref_slice %arg4[%add3A_506, %dma_start3A_508, %dma_start3A_509] : memref<768x224x224xf32, #tpu.memory_space<hbm>> -> memref<1x224x224xf32, #tpu.memory_space<hbm>>
    %dma_start3A_511 = arith.constant 0 : i32
    %dma_start3A_512 = arith.constant 0 : i32
    %dma_start3A_513 = arith.constant 0 : i32
    %dma_start3A_514 = tpu.memref_slice %arg8[%arg1, %dma_start3A_507, %dma_start3A_511, %dma_start3A_512, %dma_start3A_513] : memref<16x2x1x224x224xf32, #tpu.memory_space<vmem_shared>> -> memref<1x1x1x224x224xf32, #tpu.memory_space<vmem_shared>>
    %dma_start3A_515 = tpu.memref_squeeze %dma_start3A_514 : memref<1x1x1x224x224xf32, #tpu.memory_space<vmem_shared>> -> memref<1x224x224xf32, #tpu.memory_space<vmem_shared>>
    tpu.enqueue_dma source(%dma_start3A_515 : memref<1x224x224xf32, #tpu.memory_space<vmem_shared>>) target(%dma_start3A_510 : memref<1x224x224xf32, #tpu.memory_space<hbm>>) target_semaphore(%arg11 : memref<!tpu.dma_semaphore, #tpu.memory_space<semaphore_mem>>)
    %dma_wait3A_516 = arith.constant 0 : i32
    %dma_wait3A_517 = arith.constant 0 : i32
    %dma_wait3A_518 = arith.constant 0 : i32
    %dma_wait3A_519 = tpu.memref_slice %arg4[%add3A_506, %dma_wait3A_517, %dma_wait3A_518] : memref<768x224x224xf32, #tpu.memory_space<hbm>> -> memref<1x224x224xf32, #tpu.memory_space<hbm>>
    %dma_wait3A_520 = arith.constant 0 : i32
    %dma_wait3A_521 = arith.constant 0 : i32
    %dma_wait3A_522 = arith.constant 0 : i32
    %dma_wait3A_523 = tpu.memref_slice %arg8[%arg1, %dma_wait3A_516, %dma_wait3A_520, %dma_wait3A_521, %dma_wait3A_522] : memref<16x2x1x224x224xf32, #tpu.memory_space<vmem_shared>> -> memref<1x1x1x224x224xf32, #tpu.memory_space<vmem_shared>>
    %dma_wait3A_524 = tpu.memref_squeeze %dma_wait3A_523 : memref<1x1x1x224x224xf32, #tpu.memory_space<vmem_shared>> -> memref<1x224x224xf32, #tpu.memory_space<vmem_shared>>
    tpu.wait_dma2 semaphore(%arg11 : memref<!tpu.dma_semaphore, #tpu.memory_space<semaphore_mem>>) src(%dma_wait3A_524 : memref<1x224x224xf32, #tpu.memory_space<vmem_shared>>) dst(%dma_wait3A_519 : memref<1x224x224xf32, #tpu.memory_space<hbm>>)
    %get3A_525 = arith.constant 64 : index
    %get3A_526 = tpu.vector_load %arg7[%get3A_525] {strides = array<i32>} : memref<256xi32, #tpu.memory_space<vmem>>, vector<16xi32>,
    %slice3A_527 = vector.extract_strided_slice %get3A_526 {offsets = [0], sizes = [1], strides = [1]} : vector<16xi32> to vector<1xi32>
    %squeeze3A_528 = vector.extract %slice3A_527[0] : i32 from vector<1xi32>
    %dma_start3A_529 = arith.constant 0 : i32
    %dma_start3A_530 = arith.constant 0 : i32
    %dma_start3A_531 = arith.constant 0 : i32
    %dma_start3A_532 = arith.constant 0 : i32
    %dma_start3A_533 = tpu.memref_slice %arg8[%arg1, %dma_start3A_529, %dma_start3A_530, %dma_start3A_531, %dma_start3A_532] : memref<16x2x1x224x224xf32, #tpu.memory_space<vmem_shared>> -> memref<1x1x1x224x224xf32, #tpu.memory_space<vmem_shared>>
    %dma_start3A_534 = tpu.memref_squeeze %dma_start3A_533 : memref<1x1x1x224x224xf32, #tpu.memory_space<vmem_shared>> -> memref<1x224x224xf32, #tpu.memory_space<vmem_shared>>
    %dma_start3A_535 = arith.constant 0 : i32
    %dma_start3A_536 = arith.constant 0 : i32
    %dma_start3A_537 = tpu.memref_slice %arg2[%squeeze3A_528, %dma_start3A_535, %dma_start3A_536] : memref<768x224x224xf32, #tpu.memory_space<hbm>> -> memref<1x224x224xf32, #tpu.memory_space<hbm>>
    tpu.enqueue_dma source(%dma_start3A_537 : memref<1x224x224xf32, #tpu.memory_space<hbm>>) target(%dma_start3A_534 : memref<1x224x224xf32, #tpu.memory_space<vmem_shared>>) target_semaphore(%arg9 : memref<!tpu.dma_semaphore, #tpu.memory_space<semaphore_mem>>)
    %dma_wait3A_538 = arith.constant 1 : i32
    %dma_wait3A_539 = arith.constant 0 : i32
    %dma_wait3A_540 = arith.constant 0 : i32
    %dma_wait3A_541 = arith.constant 0 : i32
    %dma_wait3A_542 = tpu.memref_slice %arg8[%arg1, %dma_wait3A_538, %dma_wait3A_539, %dma_wait3A_540, %dma_wait3A_541] : memref<16x2x1x224x224xf32, #tpu.memory_space<vmem_shared>> -> memref<1x1x1x224x224xf32, #tpu.memory_space<vmem_shared>>
    %dma_wait3A_543 = tpu.memref_squeeze %dma_wait3A_542 : memref<1x1x1x224x224xf32, #tpu.memory_space<vmem_shared>> -> memref<1x224x224xf32, #tpu.memory_space<vmem_shared>>
    %dma_wait3A_544 = arith.constant 0 : i32
    %dma_wait3A_545 = arith.constant 0 : i32
    %dma_wait3A_546 = tpu.memref_slice %arg2[%squeeze3A_486, %dma_wait3A_544, %dma_wait3A_545] : memref<768x224x224xf32, #tpu.memory_space<hbm>> -> memref<1x224x224xf32, #tpu.memory_space<hbm>>
    tpu.wait_dma2 semaphore(%arg10 : memref<!tpu.dma_semaphore, #tpu.memory_space<semaphore_mem>>) src(%dma_wait3A_546 : memref<1x224x224xf32, #tpu.memory_space<hbm>>) dst(%dma_wait3A_543 : memref<1x224x224xf32, #tpu.memory_space<vmem_shared>>)
    %add3A_547 = arith.constant 7 : i32
    %add3A_548 = arith.addi %mul3A_2, %add3A_547 : i32
    %dma_start3A_549 = arith.constant 1 : i32
    %dma_start3A_550 = arith.constant 0 : i32
    %dma_start3A_551 = arith.constant 0 : i32
    %dma_start3A_552 = tpu.memref_slice %arg4[%add3A_548, %dma_start3A_550, %dma_start3A_551] : memref<768x224x224xf32, #tpu.memory_space<hbm>> -> memref<1x224x224xf32, #tpu.memory_space<hbm>>
    %dma_start3A_553 = arith.constant 0 : i32
    %dma_start3A_554 = arith.constant 0 : i32
    %dma_start3A_555 = arith.constant 0 : i32
    %dma_start3A_556 = tpu.memref_slice %arg8[%arg1, %dma_start3A_549, %dma_start3A_553, %dma_start3A_554, %dma_start3A_555] : memref<16x2x1x224x224xf32, #tpu.memory_space<vmem_shared>> -> memref<1x1x1x224x224xf32, #tpu.memory_space<vmem_shared>>
    %dma_start3A_557 = tpu.memref_squeeze %dma_start3A_556 : memref<1x1x1x224x224xf32, #tpu.memory_space<vmem_shared>> -> memref<1x224x224xf32, #tpu.memory_space<vmem_shared>>
    tpu.enqueue_dma source(%dma_start3A_557 : memref<1x224x224xf32, #tpu.memory_space<vmem_shared>>) target(%dma_start3A_552 : memref<1x224x224xf32, #tpu.memory_space<hbm>>) target_semaphore(%arg12 : memref<!tpu.dma_semaphore, #tpu.memory_space<semaphore_mem>>)
    %dma_wait3A_558 = arith.constant 1 : i32
    %dma_wait3A_559 = arith.constant 0 : i32
    %dma_wait3A_560 = arith.constant 0 : i32
    %dma_wait3A_561 = tpu.memref_slice %arg4[%add3A_548, %dma_wait3A_559, %dma_wait3A_560] : memref<768x224x224xf32, #tpu.memory_space<hbm>> -> memref<1x224x224xf32, #tpu.memory_space<hbm>>
    %dma_wait3A_562 = arith.constant 0 : i32
    %dma_wait3A_563 = arith.constant 0 : i32
    %dma_wait3A_564 = arith.constant 0 : i32
    %dma_wait3A_565 = tpu.memref_slice %arg8[%arg1, %dma_wait3A_558, %dma_wait3A_562, %dma_wait3A_563, %dma_wait3A_564] : memref<16x2x1x224x224xf32, #tpu.memory_space<vmem_shared>> -> memref<1x1x1x224x224xf32, #tpu.memory_space<vmem_shared>>
    %dma_wait3A_566 = tpu.memref_squeeze %dma_wait3A_565 : memref<1x1x1x224x224xf32, #tpu.memory_space<vmem_shared>> -> memref<1x224x224xf32, #tpu.memory_space<vmem_shared>>
    tpu.wait_dma2 semaphore(%arg12 : memref<!tpu.dma_semaphore, #tpu.memory_space<semaphore_mem>>) src(%dma_wait3A_566 : memref<1x224x224xf32, #tpu.memory_space<vmem_shared>>) dst(%dma_wait3A_561 : memref<1x224x224xf32, #tpu.memory_space<hbm>>)
    %get3A_567 = arith.constant 72 : index
    %get3A_568 = tpu.vector_load %arg7[%get3A_567] {strides = array<i32>} : memref<256xi32, #tpu.memory_space<vmem>>, vector<16xi32>,
    %slice3A_569 = vector.extract_strided_slice %get3A_568 {offsets = [0], sizes = [1], strides = [1]} : vector<16xi32> to vector<1xi32>
    %squeeze3A_570 = vector.extract %slice3A_569[0] : i32 from vector<1xi32>
    %dma_start3A_571 = arith.constant 1 : i32
    %dma_start3A_572 = arith.constant 0 : i32
    %dma_start3A_573 = arith.constant 0 : i32
    %dma_start3A_574 = arith.constant 0 : i32
    %dma_start3A_575 = tpu.memref_slice %arg8[%arg1, %dma_start3A_571, %dma_start3A_572, %dma_start3A_573, %dma_start3A_574] : memref<16x2x1x224x224xf32, #tpu.memory_space<vmem_shared>> -> memref<1x1x1x224x224xf32, #tpu.memory_space<vmem_shared>>
    %dma_start3A_576 = tpu.memref_squeeze %dma_start3A_575 : memref<1x1x1x224x224xf32, #tpu.memory_space<vmem_shared>> -> memref<1x224x224xf32, #tpu.memory_space<vmem_shared>>
    %dma_start3A_577 = arith.constant 0 : i32
    %dma_start3A_578 = arith.constant 0 : i32
    %dma_start3A_579 = tpu.memref_slice %arg2[%squeeze3A_570, %dma_start3A_577, %dma_start3A_578] : memref<768x224x224xf32, #tpu.memory_space<hbm>> -> memref<1x224x224xf32, #tpu.memory_space<hbm>>
    tpu.enqueue_dma source(%dma_start3A_579 : memref<1x224x224xf32, #tpu.memory_space<hbm>>) target(%dma_start3A_576 : memref<1x224x224xf32, #tpu.memory_space<vmem_shared>>) target_semaphore(%arg10 : memref<!tpu.dma_semaphore, #tpu.memory_space<semaphore_mem>>)
    %dma_wait3A_580 = arith.constant 0 : i32
    %dma_wait3A_581 = arith.constant 0 : i32
    %dma_wait3A_582 = arith.constant 0 : i32
    %dma_wait3A_583 = arith.constant 0 : i32
    %dma_wait3A_584 = tpu.memref_slice %arg8[%arg1, %dma_wait3A_580, %dma_wait3A_581, %dma_wait3A_582, %dma_wait3A_583] : memref<16x2x1x224x224xf32, #tpu.memory_space<vmem_shared>> -> memref<1x1x1x224x224xf32, #tpu.memory_space<vmem_shared>>
    %dma_wait3A_585 = tpu.memref_squeeze %dma_wait3A_584 : memref<1x1x1x224x224xf32, #tpu.memory_space<vmem_shared>> -> memref<1x224x224xf32, #tpu.memory_space<vmem_shared>>
    %dma_wait3A_586 = arith.constant 0 : i32
    %dma_wait3A_587 = arith.constant 0 : i32
    %dma_wait3A_588 = tpu.memref_slice %arg2[%squeeze3A_528, %dma_wait3A_586, %dma_wait3A_587] : memref<768x224x224xf32, #tpu.memory_space<hbm>> -> memref<1x224x224xf32, #tpu.memory_space<hbm>>
    tpu.wait_dma2 semaphore(%arg9 : memref<!tpu.dma_semaphore, #tpu.memory_space<semaphore_mem>>) src(%dma_wait3A_588 : memref<1x224x224xf32, #tpu.memory_space<hbm>>) dst(%dma_wait3A_585 : memref<1x224x224xf32, #tpu.memory_space<vmem_shared>>)
    %add3A_589 = arith.constant 8 : i32
    %add3A_590 = arith.addi %mul3A_2, %add3A_589 : i32
    %dma_start3A_591 = arith.constant 0 : i32
    %dma_start3A_592 = arith.constant 0 : i32
    %dma_start3A_593 = arith.constant 0 : i32
    %dma_start3A_594 = tpu.memref_slice %arg4[%add3A_590, %dma_start3A_592, %dma_start3A_593] : memref<768x224x224xf32, #tpu.memory_space<hbm>> -> memref<1x224x224xf32, #tpu.memory_space<hbm>>
    %dma_start3A_595 = arith.constant 0 : i32
    %dma_start3A_596 = arith.constant 0 : i32
    %dma_start3A_597 = arith.constant 0 : i32
    %dma_start3A_598 = tpu.memref_slice %arg8[%arg1, %dma_start3A_591, %dma_start3A_595, %dma_start3A_596, %dma_start3A_597] : memref<16x2x1x224x224xf32, #tpu.memory_space<vmem_shared>> -> memref<1x1x1x224x224xf32, #tpu.memory_space<vmem_shared>>
    %dma_start3A_599 = tpu.memref_squeeze %dma_start3A_598 : memref<1x1x1x224x224xf32, #tpu.memory_space<vmem_shared>> -> memref<1x224x224xf32, #tpu.memory_space<vmem_shared>>
    tpu.enqueue_dma source(%dma_start3A_599 : memref<1x224x224xf32, #tpu.memory_space<vmem_shared>>) target(%dma_start3A_594 : memref<1x224x224xf32, #tpu.memory_space<hbm>>) target_semaphore(%arg11 : memref<!tpu.dma_semaphore, #tpu.memory_space<semaphore_mem>>)
    %dma_wait3A_600 = arith.constant 0 : i32
    %dma_wait3A_601 = arith.constant 0 : i32
    %dma_wait3A_602 = arith.constant 0 : i32
    %dma_wait3A_603 = tpu.memref_slice %arg4[%add3A_590, %dma_wait3A_601, %dma_wait3A_602] : memref<768x224x224xf32, #tpu.memory_space<hbm>> -> memref<1x224x224xf32, #tpu.memory_space<hbm>>
    %dma_wait3A_604 = arith.constant 0 : i32
    %dma_wait3A_605 = arith.constant 0 : i32
    %dma_wait3A_606 = arith.constant 0 : i32
    %dma_wait3A_607 = tpu.memref_slice %arg8[%arg1, %dma_wait3A_600, %dma_wait3A_604, %dma_wait3A_605, %dma_wait3A_606] : memref<16x2x1x224x224xf32, #tpu.memory_space<vmem_shared>> -> memref<1x1x1x224x224xf32, #tpu.memory_space<vmem_shared>>
    %dma_wait3A_608 = tpu.memref_squeeze %dma_wait3A_607 : memref<1x1x1x224x224xf32, #tpu.memory_space<vmem_shared>> -> memref<1x224x224xf32, #tpu.memory_space<vmem_shared>>
    tpu.wait_dma2 semaphore(%arg11 : memref<!tpu.dma_semaphore, #tpu.memory_space<semaphore_mem>>) src(%dma_wait3A_608 : memref<1x224x224xf32, #tpu.memory_space<vmem_shared>>) dst(%dma_wait3A_603 : memref<1x224x224xf32, #tpu.memory_space<hbm>>)
    %get3A_609 = arith.constant 80 : index
    %get3A_610 = tpu.vector_load %arg7[%get3A_609] {strides = array<i32>} : memref<256xi32, #tpu.memory_space<vmem>>, vector<16xi32>,
    %slice3A_611 = vector.extract_strided_slice %get3A_610 {offsets = [0], sizes = [1], strides = [1]} : vector<16xi32> to vector<1xi32>
    %squeeze3A_612 = vector.extract %slice3A_611[0] : i32 from vector<1xi32>
    %dma_start3A_613 = arith.constant 0 : i32
    %dma_start3A_614 = arith.constant 0 : i32
    %dma_start3A_615 = arith.constant 0 : i32
    %dma_start3A_616 = arith.constant 0 : i32
    %dma_start3A_617 = tpu.memref_slice %arg8[%arg1, %dma_start3A_613, %dma_start3A_614, %dma_start3A_615, %dma_start3A_616] : memref<16x2x1x224x224xf32, #tpu.memory_space<vmem_shared>> -> memref<1x1x1x224x224xf32, #tpu.memory_space<vmem_shared>>
    %dma_start3A_618 = tpu.memref_squeeze %dma_start3A_617 : memref<1x1x1x224x224xf32, #tpu.memory_space<vmem_shared>> -> memref<1x224x224xf32, #tpu.memory_space<vmem_shared>>
    %dma_start3A_619 = arith.constant 0 : i32
    %dma_start3A_620 = arith.constant 0 : i32
    %dma_start3A_621 = tpu.memref_slice %arg2[%squeeze3A_612, %dma_start3A_619, %dma_start3A_620] : memref<768x224x224xf32, #tpu.memory_space<hbm>> -> memref<1x224x224xf32, #tpu.memory_space<hbm>>
    tpu.enqueue_dma source(%dma_start3A_621 : memref<1x224x224xf32, #tpu.memory_space<hbm>>) target(%dma_start3A_618 : memref<1x224x224xf32, #tpu.memory_space<vmem_shared>>) target_semaphore(%arg9 : memref<!tpu.dma_semaphore, #tpu.memory_space<semaphore_mem>>)
    %dma_wait3A_622 = arith.constant 1 : i32
    %dma_wait3A_623 = arith.constant 0 : i32
    %dma_wait3A_624 = arith.constant 0 : i32
    %dma_wait3A_625 = arith.constant 0 : i32
    %dma_wait3A_626 = tpu.memref_slice %arg8[%arg1, %dma_wait3A_622, %dma_wait3A_623, %dma_wait3A_624, %dma_wait3A_625] : memref<16x2x1x224x224xf32, #tpu.memory_space<vmem_shared>> -> memref<1x1x1x224x224xf32, #tpu.memory_space<vmem_shared>>
    %dma_wait3A_627 = tpu.memref_squeeze %dma_wait3A_626 : memref<1x1x1x224x224xf32, #tpu.memory_space<vmem_shared>> -> memref<1x224x224xf32, #tpu.memory_space<vmem_shared>>
    %dma_wait3A_628 = arith.constant 0 : i32
    %dma_wait3A_629 = arith.constant 0 : i32
    %dma_wait3A_630 = tpu.memref_slice %arg2[%squeeze3A_570, %dma_wait3A_628, %dma_wait3A_629] : memref<768x224x224xf32, #tpu.memory_space<hbm>> -> memref<1x224x224xf32, #tpu.memory_space<hbm>>
    tpu.wait_dma2 semaphore(%arg10 : memref<!tpu.dma_semaphore, #tpu.memory_space<semaphore_mem>>) src(%dma_wait3A_630 : memref<1x224x224xf32, #tpu.memory_space<hbm>>) dst(%dma_wait3A_627 : memref<1x224x224xf32, #tpu.memory_space<vmem_shared>>)
    %add3A_631 = arith.constant 9 : i32
    %add3A_632 = arith.addi %mul3A_2, %add3A_631 : i32
    %dma_start3A_633 = arith.constant 1 : i32
    %dma_start3A_634 = arith.constant 0 : i32
    %dma_start3A_635 = arith.constant 0 : i32
    %dma_start3A_636 = tpu.memref_slice %arg4[%add3A_632, %dma_start3A_634, %dma_start3A_635] : memref<768x224x224xf32, #tpu.memory_space<hbm>> -> memref<1x224x224xf32, #tpu.memory_space<hbm>>
    %dma_start3A_637 = arith.constant 0 : i32
    %dma_start3A_638 = arith.constant 0 : i32
    %dma_start3A_639 = arith.constant 0 : i32
    %dma_start3A_640 = tpu.memref_slice %arg8[%arg1, %dma_start3A_633, %dma_start3A_637, %dma_start3A_638, %dma_start3A_639] : memref<16x2x1x224x224xf32, #tpu.memory_space<vmem_shared>> -> memref<1x1x1x224x224xf32, #tpu.memory_space<vmem_shared>>
    %dma_start3A_641 = tpu.memref_squeeze %dma_start3A_640 : memref<1x1x1x224x224xf32, #tpu.memory_space<vmem_shared>> -> memref<1x224x224xf32, #tpu.memory_space<vmem_shared>>
    tpu.enqueue_dma source(%dma_start3A_641 : memref<1x224x224xf32, #tpu.memory_space<vmem_shared>>) target(%dma_start3A_636 : memref<1x224x224xf32, #tpu.memory_space<hbm>>) target_semaphore(%arg12 : memref<!tpu.dma_semaphore, #tpu.memory_space<semaphore_mem>>)
    %dma_wait3A_642 = arith.constant 1 : i32
    %dma_wait3A_643 = arith.constant 0 : i32
    %dma_wait3A_644 = arith.constant 0 : i32
    %dma_wait3A_645 = tpu.memref_slice %arg4[%add3A_632, %dma_wait3A_643, %dma_wait3A_644] : memref<768x224x224xf32, #tpu.memory_space<hbm>> -> memref<1x224x224xf32, #tpu.memory_space<hbm>>
    %dma_wait3A_646 = arith.constant 0 : i32
    %dma_wait3A_647 = arith.constant 0 : i32
    %dma_wait3A_648 = arith.constant 0 : i32
    %dma_wait3A_649 = tpu.memref_slice %arg8[%arg1, %dma_wait3A_642, %dma_wait3A_646, %dma_wait3A_647, %dma_wait3A_648] : memref<16x2x1x224x224xf32, #tpu.memory_space<vmem_shared>> -> memref<1x1x1x224x224xf32, #tpu.memory_space<vmem_shared>>
    %dma_wait3A_650 = tpu.memref_squeeze %dma_wait3A_649 : memref<1x1x1x224x224xf32, #tpu.memory_space<vmem_shared>> -> memref<1x224x224xf32, #tpu.memory_space<vmem_shared>>
    tpu.wait_dma2 semaphore(%arg12 : memref<!tpu.dma_semaphore, #tpu.memory_space<semaphore_mem>>) src(%dma_wait3A_650 : memref<1x224x224xf32, #tpu.memory_space<vmem_shared>>) dst(%dma_wait3A_645 : memref<1x224x224xf32, #tpu.memory_space<hbm>>)
    %get3A_651 = arith.constant 88 : index
    %get3A_652 = tpu.vector_load %arg7[%get3A_651] {strides = array<i32>} : memref<256xi32, #tpu.memory_space<vmem>>, vector<16xi32>,
    %slice3A_653 = vector.extract_strided_slice %get3A_652 {offsets = [0], sizes = [1], strides = [1]} : vector<16xi32> to vector<1xi32>
    %squeeze3A_654 = vector.extract %slice3A_653[0] : i32 from vector<1xi32>
    %dma_start3A_655 = arith.constant 1 : i32
    %dma_start3A_656 = arith.constant 0 : i32
    %dma_start3A_657 = arith.constant 0 : i32
    %dma_start3A_658 = arith.constant 0 : i32
    %dma_start3A_659 = tpu.memref_slice %arg8[%arg1, %dma_start3A_655, %dma_start3A_656, %dma_start3A_657, %dma_start3A_658] : memref<16x2x1x224x224xf32, #tpu.memory_space<vmem_shared>> -> memref<1x1x1x224x224xf32, #tpu.memory_space<vmem_shared>>
    %dma_start3A_660 = tpu.memref_squeeze %dma_start3A_659 : memref<1x1x1x224x224xf32, #tpu.memory_space<vmem_shared>> -> memref<1x224x224xf32, #tpu.memory_space<vmem_shared>>
    %dma_start3A_661 = arith.constant 0 : i32
    %dma_start3A_662 = arith.constant 0 : i32
    %dma_start3A_663 = tpu.memref_slice %arg2[%squeeze3A_654, %dma_start3A_661, %dma_start3A_662] : memref<768x224x224xf32, #tpu.memory_space<hbm>> -> memref<1x224x224xf32, #tpu.memory_space<hbm>>
    tpu.enqueue_dma source(%dma_start3A_663 : memref<1x224x224xf32, #tpu.memory_space<hbm>>) target(%dma_start3A_660 : memref<1x224x224xf32, #tpu.memory_space<vmem_shared>>) target_semaphore(%arg10 : memref<!tpu.dma_semaphore, #tpu.memory_space<semaphore_mem>>)
    %dma_wait3A_664 = arith.constant 0 : i32
    %dma_wait3A_665 = arith.constant 0 : i32
    %dma_wait3A_666 = arith.constant 0 : i32
    %dma_wait3A_667 = arith.constant 0 : i32
    %dma_wait3A_668 = tpu.memref_slice %arg8[%arg1, %dma_wait3A_664, %dma_wait3A_665, %dma_wait3A_666, %dma_wait3A_667] : memref<16x2x1x224x224xf32, #tpu.memory_space<vmem_shared>> -> memref<1x1x1x224x224xf32, #tpu.memory_space<vmem_shared>>
    %dma_wait3A_669 = tpu.memref_squeeze %dma_wait3A_668 : memref<1x1x1x224x224xf32, #tpu.memory_space<vmem_shared>> -> memref<1x224x224xf32, #tpu.memory_space<vmem_shared>>
    %dma_wait3A_670 = arith.constant 0 : i32
    %dma_wait3A_671 = arith.constant 0 : i32
    %dma_wait3A_672 = tpu.memref_slice %arg2[%squeeze3A_612, %dma_wait3A_670, %dma_wait3A_671] : memref<768x224x224xf32, #tpu.memory_space<hbm>> -> memref<1x224x224xf32, #tpu.memory_space<hbm>>
    tpu.wait_dma2 semaphore(%arg9 : memref<!tpu.dma_semaphore, #tpu.memory_space<semaphore_mem>>) src(%dma_wait3A_672 : memref<1x224x224xf32, #tpu.memory_space<hbm>>) dst(%dma_wait3A_669 : memref<1x224x224xf32, #tpu.memory_space<vmem_shared>>)
    %add3A_673 = arith.constant 10 : i32
    %add3A_674 = arith.addi %mul3A_2, %add3A_673 : i32
    %dma_start3A_675 = arith.constant 0 : i32
    %dma_start3A_676 = arith.constant 0 : i32
    %dma_start3A_677 = arith.constant 0 : i32
    %dma_start3A_678 = tpu.memref_slice %arg4[%add3A_674, %dma_start3A_676, %dma_start3A_677] : memref<768x224x224xf32, #tpu.memory_space<hbm>> -> memref<1x224x224xf32, #tpu.memory_space<hbm>>
    %dma_start3A_679 = arith.constant 0 : i32
    %dma_start3A_680 = arith.constant 0 : i32
    %dma_start3A_681 = arith.constant 0 : i32
    %dma_start3A_682 = tpu.memref_slice %arg8[%arg1, %dma_start3A_675, %dma_start3A_679, %dma_start3A_680, %dma_start3A_681] : memref<16x2x1x224x224xf32, #tpu.memory_space<vmem_shared>> -> memref<1x1x1x224x224xf32, #tpu.memory_space<vmem_shared>>
    %dma_start3A_683 = tpu.memref_squeeze %dma_start3A_682 : memref<1x1x1x224x224xf32, #tpu.memory_space<vmem_shared>> -> memref<1x224x224xf32, #tpu.memory_space<vmem_shared>>
    tpu.enqueue_dma source(%dma_start3A_683 : memref<1x224x224xf32, #tpu.memory_space<vmem_shared>>) target(%dma_start3A_678 : memref<1x224x224xf32, #tpu.memory_space<hbm>>) target_semaphore(%arg11 : memref<!tpu.dma_semaphore, #tpu.memory_space<semaphore_mem>>)
    %dma_wait3A_684 = arith.constant 0 : i32
    %dma_wait3A_685 = arith.constant 0 : i32
    %dma_wait3A_686 = arith.constant 0 : i32
    %dma_wait3A_687 = tpu.memref_slice %arg4[%add3A_674, %dma_wait3A_685, %dma_wait3A_686] : memref<768x224x224xf32, #tpu.memory_space<hbm>> -> memref<1x224x224xf32, #tpu.memory_space<hbm>>
    %dma_wait3A_688 = arith.constant 0 : i32
    %dma_wait3A_689 = arith.constant 0 : i32
    %dma_wait3A_690 = arith.constant 0 : i32
    %dma_wait3A_691 = tpu.memref_slice %arg8[%arg1, %dma_wait3A_684, %dma_wait3A_688, %dma_wait3A_689, %dma_wait3A_690] : memref<16x2x1x224x224xf32, #tpu.memory_space<vmem_shared>> -> memref<1x1x1x224x224xf32, #tpu.memory_space<vmem_shared>>
    %dma_wait3A_692 = tpu.memref_squeeze %dma_wait3A_691 : memref<1x1x1x224x224xf32, #tpu.memory_space<vmem_shared>> -> memref<1x224x224xf32, #tpu.memory_space<vmem_shared>>
    tpu.wait_dma2 semaphore(%arg11 : memref<!tpu.dma_semaphore, #tpu.memory_space<semaphore_mem>>) src(%dma_wait3A_692 : memref<1x224x224xf32, #tpu.memory_space<vmem_shared>>) dst(%dma_wait3A_687 : memref<1x224x224xf32, #tpu.memory_space<hbm>>)
    %get3A_693 = arith.constant 96 : index
    %get3A_694 = tpu.vector_load %arg7[%get3A_693] {strides = array<i32>} : memref<256xi32, #tpu.memory_space<vmem>>, vector<16xi32>,
    %slice3A_695 = vector.extract_strided_slice %get3A_694 {offsets = [0], sizes = [1], strides = [1]} : vector<16xi32> to vector<1xi32>
    %squeeze3A_696 = vector.extract %slice3A_695[0] : i32 from vector<1xi32>
    %dma_start3A_697 = arith.constant 0 : i32
    %dma_start3A_698 = arith.constant 0 : i32
    %dma_start3A_699 = arith.constant 0 : i32
    %dma_start3A_700 = arith.constant 0 : i32
    %dma_start3A_701 = tpu.memref_slice %arg8[%arg1, %dma_start3A_697, %dma_start3A_698, %dma_start3A_699, %dma_start3A_700] : memref<16x2x1x224x224xf32, #tpu.memory_space<vmem_shared>> -> memref<1x1x1x224x224xf32, #tpu.memory_space<vmem_shared>>
    %dma_start3A_702 = tpu.memref_squeeze %dma_start3A_701 : memref<1x1x1x224x224xf32, #tpu.memory_space<vmem_shared>> -> memref<1x224x224xf32, #tpu.memory_space<vmem_shared>>
    %dma_start3A_703 = arith.constant 0 : i32
    %dma_start3A_704 = arith.constant 0 : i32
    %dma_start3A_705 = tpu.memref_slice %arg2[%squeeze3A_696, %dma_start3A_703, %dma_start3A_704] : memref<768x224x224xf32, #tpu.memory_space<hbm>> -> memref<1x224x224xf32, #tpu.memory_space<hbm>>
    tpu.enqueue_dma source(%dma_start3A_705 : memref<1x224x224xf32, #tpu.memory_space<hbm>>) target(%dma_start3A_702 : memref<1x224x224xf32, #tpu.memory_space<vmem_shared>>) target_semaphore(%arg9 : memref<!tpu.dma_semaphore, #tpu.memory_space<semaphore_mem>>)
    %dma_wait3A_706 = arith.constant 1 : i32
    %dma_wait3A_707 = arith.constant 0 : i32
    %dma_wait3A_708 = arith.constant 0 : i32
    %dma_wait3A_709 = arith.constant 0 : i32
    %dma_wait3A_710 = tpu.memref_slice %arg8[%arg1, %dma_wait3A_706, %dma_wait3A_707, %dma_wait3A_708, %dma_wait3A_709] : memref<16x2x1x224x224xf32, #tpu.memory_space<vmem_shared>> -> memref<1x1x1x224x224xf32, #tpu.memory_space<vmem_shared>>
    %dma_wait3A_711 = tpu.memref_squeeze %dma_wait3A_710 : memref<1x1x1x224x224xf32, #tpu.memory_space<vmem_shared>> -> memref<1x224x224xf32, #tpu.memory_space<vmem_shared>>
    %dma_wait3A_712 = arith.constant 0 : i32
    %dma_wait3A_713 = arith.constant 0 : i32
    %dma_wait3A_714 = tpu.memref_slice %arg2[%squeeze3A_654, %dma_wait3A_712, %dma_wait3A_713] : memref<768x224x224xf32, #tpu.memory_space<hbm>> -> memref<1x224x224xf32, #tpu.memory_space<hbm>>
    tpu.wait_dma2 semaphore(%arg10 : memref<!tpu.dma_semaphore, #tpu.memory_space<semaphore_mem>>) src(%dma_wait3A_714 : memref<1x224x224xf32, #tpu.memory_space<hbm>>) dst(%dma_wait3A_711 : memref<1x224x224xf32, #tpu.memory_space<vmem_shared>>)
    %add3A_715 = arith.constant 11 : i32
    %add3A_716 = arith.addi %mul3A_2, %add3A_715 : i32
    %dma_start3A_717 = arith.constant 1 : i32
    %dma_start3A_718 = arith.constant 0 : i32
    %dma_start3A_719 = arith.constant 0 : i32
    %dma_start3A_720 = tpu.memref_slice %arg4[%add3A_716, %dma_start3A_718, %dma_start3A_719] : memref<768x224x224xf32, #tpu.memory_space<hbm>> -> memref<1x224x224xf32, #tpu.memory_space<hbm>>
    %dma_start3A_721 = arith.constant 0 : i32
    %dma_start3A_722 = arith.constant 0 : i32
    %dma_start3A_723 = arith.constant 0 : i32
    %dma_start3A_724 = tpu.memref_slice %arg8[%arg1, %dma_start3A_717, %dma_start3A_721, %dma_start3A_722, %dma_start3A_723] : memref<16x2x1x224x224xf32, #tpu.memory_space<vmem_shared>> -> memref<1x1x1x224x224xf32, #tpu.memory_space<vmem_shared>>
    %dma_start3A_725 = tpu.memref_squeeze %dma_start3A_724 : memref<1x1x1x224x224xf32, #tpu.memory_space<vmem_shared>> -> memref<1x224x224xf32, #tpu.memory_space<vmem_shared>>
    tpu.enqueue_dma source(%dma_start3A_725 : memref<1x224x224xf32, #tpu.memory_space<vmem_shared>>) target(%dma_start3A_720 : memref<1x224x224xf32, #tpu.memory_space<hbm>>) target_semaphore(%arg12 : memref<!tpu.dma_semaphore, #tpu.memory_space<semaphore_mem>>)
    %dma_wait3A_726 = arith.constant 1 : i32
    %dma_wait3A_727 = arith.constant 0 : i32
    %dma_wait3A_728 = arith.constant 0 : i32
    %dma_wait3A_729 = tpu.memref_slice %arg4[%add3A_716, %dma_wait3A_727, %dma_wait3A_728] : memref<768x224x224xf32, #tpu.memory_space<hbm>> -> memref<1x224x224xf32, #tpu.memory_space<hbm>>
    %dma_wait3A_730 = arith.constant 0 : i32
    %dma_wait3A_731 = arith.constant 0 : i32
    %dma_wait3A_732 = arith.constant 0 : i32
    %dma_wait3A_733 = tpu.memref_slice %arg8[%arg1, %dma_wait3A_726, %dma_wait3A_730, %dma_wait3A_731, %dma_wait3A_732] : memref<16x2x1x224x224xf32, #tpu.memory_space<vmem_shared>> -> memref<1x1x1x224x224xf32, #tpu.memory_space<vmem_shared>>
    %dma_wait3A_734 = tpu.memref_squeeze %dma_wait3A_733 : memref<1x1x1x224x224xf32, #tpu.memory_space<vmem_shared>> -> memref<1x224x224xf32, #tpu.memory_space<vmem_shared>>
    tpu.wait_dma2 semaphore(%arg12 : memref<!tpu.dma_semaphore, #tpu.memory_space<semaphore_mem>>) src(%dma_wait3A_734 : memref<1x224x224xf32, #tpu.memory_space<vmem_shared>>) dst(%dma_wait3A_729 : memref<1x224x224xf32, #tpu.memory_space<hbm>>)
    %get3A_735 = arith.constant 104 : index
    %get3A_736 = tpu.vector_load %arg7[%get3A_735] {strides = array<i32>} : memref<256xi32, #tpu.memory_space<vmem>>, vector<16xi32>,
    %slice3A_737 = vector.extract_strided_slice %get3A_736 {offsets = [0], sizes = [1], strides = [1]} : vector<16xi32> to vector<1xi32>
    %squeeze3A_738 = vector.extract %slice3A_737[0] : i32 from vector<1xi32>
    %dma_start3A_739 = arith.constant 1 : i32
    %dma_start3A_740 = arith.constant 0 : i32
    %dma_start3A_741 = arith.constant 0 : i32
    %dma_start3A_742 = arith.constant 0 : i32
    %dma_start3A_743 = tpu.memref_slice %arg8[%arg1, %dma_start3A_739, %dma_start3A_740, %dma_start3A_741, %dma_start3A_742] : memref<16x2x1x224x224xf32, #tpu.memory_space<vmem_shared>> -> memref<1x1x1x224x224xf32, #tpu.memory_space<vmem_shared>>
    %dma_start3A_744 = tpu.memref_squeeze %dma_start3A_743 : memref<1x1x1x224x224xf32, #tpu.memory_space<vmem_shared>> -> memref<1x224x224xf32, #tpu.memory_space<vmem_shared>>
    %dma_start3A_745 = arith.constant 0 : i32
    %dma_start3A_746 = arith.constant 0 : i32
    %dma_start3A_747 = tpu.memref_slice %arg2[%squeeze3A_738, %dma_start3A_745, %dma_start3A_746] : memref<768x224x224xf32, #tpu.memory_space<hbm>> -> memref<1x224x224xf32, #tpu.memory_space<hbm>>
    tpu.enqueue_dma source(%dma_start3A_747 : memref<1x224x224xf32, #tpu.memory_space<hbm>>) target(%dma_start3A_744 : memref<1x224x224xf32, #tpu.memory_space<vmem_shared>>) target_semaphore(%arg10 : memref<!tpu.dma_semaphore, #tpu.memory_space<semaphore_mem>>)
    %dma_wait3A_748 = arith.constant 0 : i32
    %dma_wait3A_749 = arith.constant 0 : i32
    %dma_wait3A_750 = arith.constant 0 : i32
    %dma_wait3A_751 = arith.constant 0 : i32
    %dma_wait3A_752 = tpu.memref_slice %arg8[%arg1, %dma_wait3A_748, %dma_wait3A_749, %dma_wait3A_750, %dma_wait3A_751] : memref<16x2x1x224x224xf32, #tpu.memory_space<vmem_shared>> -> memref<1x1x1x224x224xf32, #tpu.memory_space<vmem_shared>>
    %dma_wait3A_753 = tpu.memref_squeeze %dma_wait3A_752 : memref<1x1x1x224x224xf32, #tpu.memory_space<vmem_shared>> -> memref<1x224x224xf32, #tpu.memory_space<vmem_shared>>
    %dma_wait3A_754 = arith.constant 0 : i32
    %dma_wait3A_755 = arith.constant 0 : i32
    %dma_wait3A_756 = tpu.memref_slice %arg2[%squeeze3A_696, %dma_wait3A_754, %dma_wait3A_755] : memref<768x224x224xf32, #tpu.memory_space<hbm>> -> memref<1x224x224xf32, #tpu.memory_space<hbm>>
    tpu.wait_dma2 semaphore(%arg9 : memref<!tpu.dma_semaphore, #tpu.memory_space<semaphore_mem>>) src(%dma_wait3A_756 : memref<1x224x224xf32, #tpu.memory_space<hbm>>) dst(%dma_wait3A_753 : memref<1x224x224xf32, #tpu.memory_space<vmem_shared>>)
    %add3A_757 = arith.constant 12 : i32
    %add3A_758 = arith.addi %mul3A_2, %add3A_757 : i32
    %dma_start3A_759 = arith.constant 0 : i32
    %dma_start3A_760 = arith.constant 0 : i32
    %dma_start3A_761 = arith.constant 0 : i32
    %dma_start3A_762 = tpu.memref_slice %arg4[%add3A_758, %dma_start3A_760, %dma_start3A_761] : memref<768x224x224xf32, #tpu.memory_space<hbm>> -> memref<1x224x224xf32, #tpu.memory_space<hbm>>
    %dma_start3A_763 = arith.constant 0 : i32
    %dma_start3A_764 = arith.constant 0 : i32
    %dma_start3A_765 = arith.constant 0 : i32
    %dma_start3A_766 = tpu.memref_slice %arg8[%arg1, %dma_start3A_759, %dma_start3A_763, %dma_start3A_764, %dma_start3A_765] : memref<16x2x1x224x224xf32, #tpu.memory_space<vmem_shared>> -> memref<1x1x1x224x224xf32, #tpu.memory_space<vmem_shared>>
    %dma_start3A_767 = tpu.memref_squeeze %dma_start3A_766 : memref<1x1x1x224x224xf32, #tpu.memory_space<vmem_shared>> -> memref<1x224x224xf32, #tpu.memory_space<vmem_shared>>
    tpu.enqueue_dma source(%dma_start3A_767 : memref<1x224x224xf32, #tpu.memory_space<vmem_shared>>) target(%dma_start3A_762 : memref<1x224x224xf32, #tpu.memory_space<hbm>>) target_semaphore(%arg11 : memref<!tpu.dma_semaphore, #tpu.memory_space<semaphore_mem>>)
    %dma_wait3A_768 = arith.constant 0 : i32
    %dma_wait3A_769 = arith.constant 0 : i32
    %dma_wait3A_770 = arith.constant 0 : i32
    %dma_wait3A_771 = tpu.memref_slice %arg4[%add3A_758, %dma_wait3A_769, %dma_wait3A_770] : memref<768x224x224xf32, #tpu.memory_space<hbm>> -> memref<1x224x224xf32, #tpu.memory_space<hbm>>
    %dma_wait3A_772 = arith.constant 0 : i32
    %dma_wait3A_773 = arith.constant 0 : i32
    %dma_wait3A_774 = arith.constant 0 : i32
    %dma_wait3A_775 = tpu.memref_slice %arg8[%arg1, %dma_wait3A_768, %dma_wait3A_772, %dma_wait3A_773, %dma_wait3A_774] : memref<16x2x1x224x224xf32, #tpu.memory_space<vmem_shared>> -> memref<1x1x1x224x224xf32, #tpu.memory_space<vmem_shared>>
    %dma_wait3A_776 = tpu.memref_squeeze %dma_wait3A_775 : memref<1x1x1x224x224xf32, #tpu.memory_space<vmem_shared>> -> memref<1x224x224xf32, #tpu.memory_space<vmem_shared>>
    tpu.wait_dma2 semaphore(%arg11 : memref<!tpu.dma_semaphore, #tpu.memory_space<semaphore_mem>>) src(%dma_wait3A_776 : memref<1x224x224xf32, #tpu.memory_space<vmem_shared>>) dst(%dma_wait3A_771 : memref<1x224x224xf32, #tpu.memory_space<hbm>>)
    %get3A_777 = arith.constant 112 : index
    %get3A_778 = tpu.vector_load %arg7[%get3A_777] {strides = array<i32>} : memref<256xi32, #tpu.memory_space<vmem>>, vector<16xi32>,
    %slice3A_779 = vector.extract_strided_slice %get3A_778 {offsets = [0], sizes = [1], strides = [1]} : vector<16xi32> to vector<1xi32>
    %squeeze3A_780 = vector.extract %slice3A_779[0] : i32 from vector<1xi32>
    %dma_start3A_781 = arith.constant 0 : i32
    %dma_start3A_782 = arith.constant 0 : i32
    %dma_start3A_783 = arith.constant 0 : i32
    %dma_start3A_784 = arith.constant 0 : i32
    %dma_start3A_785 = tpu.memref_slice %arg8[%arg1, %dma_start3A_781, %dma_start3A_782, %dma_start3A_783, %dma_start3A_784] : memref<16x2x1x224x224xf32, #tpu.memory_space<vmem_shared>> -> memref<1x1x1x224x224xf32, #tpu.memory_space<vmem_shared>>
    %dma_start3A_786 = tpu.memref_squeeze %dma_start3A_785 : memref<1x1x1x224x224xf32, #tpu.memory_space<vmem_shared>> -> memref<1x224x224xf32, #tpu.memory_space<vmem_shared>>
    %dma_start3A_787 = arith.constant 0 : i32
    %dma_start3A_788 = arith.constant 0 : i32
    %dma_start3A_789 = tpu.memref_slice %arg2[%squeeze3A_780, %dma_start3A_787, %dma_start3A_788] : memref<768x224x224xf32, #tpu.memory_space<hbm>> -> memref<1x224x224xf32, #tpu.memory_space<hbm>>
    tpu.enqueue_dma source(%dma_start3A_789 : memref<1x224x224xf32, #tpu.memory_space<hbm>>) target(%dma_start3A_786 : memref<1x224x224xf32, #tpu.memory_space<vmem_shared>>) target_semaphore(%arg9 : memref<!tpu.dma_semaphore, #tpu.memory_space<semaphore_mem>>)
    %dma_wait3A_790 = arith.constant 1 : i32
    %dma_wait3A_791 = arith.constant 0 : i32
    %dma_wait3A_792 = arith.constant 0 : i32
    %dma_wait3A_793 = arith.constant 0 : i32
    %dma_wait3A_794 = tpu.memref_slice %arg8[%arg1, %dma_wait3A_790, %dma_wait3A_791, %dma_wait3A_792, %dma_wait3A_793] : memref<16x2x1x224x224xf32, #tpu.memory_space<vmem_shared>> -> memref<1x1x1x224x224xf32, #tpu.memory_space<vmem_shared>>
    %dma_wait3A_795 = tpu.memref_squeeze %dma_wait3A_794 : memref<1x1x1x224x224xf32, #tpu.memory_space<vmem_shared>> -> memref<1x224x224xf32, #tpu.memory_space<vmem_shared>>
    %dma_wait3A_796 = arith.constant 0 : i32
    %dma_wait3A_797 = arith.constant 0 : i32
    %dma_wait3A_798 = tpu.memref_slice %arg2[%squeeze3A_738, %dma_wait3A_796, %dma_wait3A_797] : memref<768x224x224xf32, #tpu.memory_space<hbm>> -> memref<1x224x224xf32, #tpu.memory_space<hbm>>
    tpu.wait_dma2 semaphore(%arg10 : memref<!tpu.dma_semaphore, #tpu.memory_space<semaphore_mem>>) src(%dma_wait3A_798 : memref<1x224x224xf32, #tpu.memory_space<hbm>>) dst(%dma_wait3A_795 : memref<1x224x224xf32, #tpu.memory_space<vmem_shared>>)
    %add3A_799 = arith.constant 13 : i32
    %add3A_800 = arith.addi %mul3A_2, %add3A_799 : i32
    %dma_start3A_801 = arith.constant 1 : i32
    %dma_start3A_802 = arith.constant 0 : i32
    %dma_start3A_803 = arith.constant 0 : i32
    %dma_start3A_804 = tpu.memref_slice %arg4[%add3A_800, %dma_start3A_802, %dma_start3A_803] : memref<768x224x224xf32, #tpu.memory_space<hbm>> -> memref<1x224x224xf32, #tpu.memory_space<hbm>>
    %dma_start3A_805 = arith.constant 0 : i32
    %dma_start3A_806 = arith.constant 0 : i32
    %dma_start3A_807 = arith.constant 0 : i32
    %dma_start3A_808 = tpu.memref_slice %arg8[%arg1, %dma_start3A_801, %dma_start3A_805, %dma_start3A_806, %dma_start3A_807] : memref<16x2x1x224x224xf32, #tpu.memory_space<vmem_shared>> -> memref<1x1x1x224x224xf32, #tpu.memory_space<vmem_shared>>
    %dma_start3A_809 = tpu.memref_squeeze %dma_start3A_808 : memref<1x1x1x224x224xf32, #tpu.memory_space<vmem_shared>> -> memref<1x224x224xf32, #tpu.memory_space<vmem_shared>>
    tpu.enqueue_dma source(%dma_start3A_809 : memref<1x224x224xf32, #tpu.memory_space<vmem_shared>>) target(%dma_start3A_804 : memref<1x224x224xf32, #tpu.memory_space<hbm>>) target_semaphore(%arg12 : memref<!tpu.dma_semaphore, #tpu.memory_space<semaphore_mem>>)
    %dma_wait3A_810 = arith.constant 1 : i32
    %dma_wait3A_811 = arith.constant 0 : i32
    %dma_wait3A_812 = arith.constant 0 : i32
    %dma_wait3A_813 = tpu.memref_slice %arg4[%add3A_800, %dma_wait3A_811, %dma_wait3A_812] : memref<768x224x224xf32, #tpu.memory_space<hbm>> -> memref<1x224x224xf32, #tpu.memory_space<hbm>>
    %dma_wait3A_814 = arith.constant 0 : i32
    %dma_wait3A_815 = arith.constant 0 : i32
    %dma_wait3A_816 = arith.constant 0 : i32
    %dma_wait3A_817 = tpu.memref_slice %arg8[%arg1, %dma_wait3A_810, %dma_wait3A_814, %dma_wait3A_815, %dma_wait3A_816] : memref<16x2x1x224x224xf32, #tpu.memory_space<vmem_shared>> -> memref<1x1x1x224x224xf32, #tpu.memory_space<vmem_shared>>
    %dma_wait3A_818 = tpu.memref_squeeze %dma_wait3A_817 : memref<1x1x1x224x224xf32, #tpu.memory_space<vmem_shared>> -> memref<1x224x224xf32, #tpu.memory_space<vmem_shared>>
    tpu.wait_dma2 semaphore(%arg12 : memref<!tpu.dma_semaphore, #tpu.memory_space<semaphore_mem>>) src(%dma_wait3A_818 : memref<1x224x224xf32, #tpu.memory_space<vmem_shared>>) dst(%dma_wait3A_813 : memref<1x224x224xf32, #tpu.memory_space<hbm>>)
    %get3A_819 = arith.constant 120 : index
    %get3A_820 = tpu.vector_load %arg7[%get3A_819] {strides = array<i32>} : memref<256xi32, #tpu.memory_space<vmem>>, vector<16xi32>,
    %slice3A_821 = vector.extract_strided_slice %get3A_820 {offsets = [0], sizes = [1], strides = [1]} : vector<16xi32> to vector<1xi32>
    %squeeze3A_822 = vector.extract %slice3A_821[0] : i32 from vector<1xi32>
    %dma_start3A_823 = arith.constant 1 : i32
    %dma_start3A_824 = arith.constant 0 : i32
    %dma_start3A_825 = arith.constant 0 : i32
    %dma_start3A_826 = arith.constant 0 : i32
    %dma_start3A_827 = tpu.memref_slice %arg8[%arg1, %dma_start3A_823, %dma_start3A_824, %dma_start3A_825, %dma_start3A_826] : memref<16x2x1x224x224xf32, #tpu.memory_space<vmem_shared>> -> memref<1x1x1x224x224xf32, #tpu.memory_space<vmem_shared>>
    %dma_start3A_828 = tpu.memref_squeeze %dma_start3A_827 : memref<1x1x1x224x224xf32, #tpu.memory_space<vmem_shared>> -> memref<1x224x224xf32, #tpu.memory_space<vmem_shared>>
    %dma_start3A_829 = arith.constant 0 : i32
    %dma_start3A_830 = arith.constant 0 : i32
    %dma_start3A_831 = tpu.memref_slice %arg2[%squeeze3A_822, %dma_start3A_829, %dma_start3A_830] : memref<768x224x224xf32, #tpu.memory_space<hbm>> -> memref<1x224x224xf32, #tpu.memory_space<hbm>>
    tpu.enqueue_dma source(%dma_start3A_831 : memref<1x224x224xf32, #tpu.memory_space<hbm>>) target(%dma_start3A_828 : memref<1x224x224xf32, #tpu.memory_space<vmem_shared>>) target_semaphore(%arg10 : memref<!tpu.dma_semaphore, #tpu.memory_space<semaphore_mem>>)
    %dma_wait3A_832 = arith.constant 0 : i32
    %dma_wait3A_833 = arith.constant 0 : i32
    %dma_wait3A_834 = arith.constant 0 : i32
    %dma_wait3A_835 = arith.constant 0 : i32
    %dma_wait3A_836 = tpu.memref_slice %arg8[%arg1, %dma_wait3A_832, %dma_wait3A_833, %dma_wait3A_834, %dma_wait3A_835] : memref<16x2x1x224x224xf32, #tpu.memory_space<vmem_shared>> -> memref<1x1x1x224x224xf32, #tpu.memory_space<vmem_shared>>
    %dma_wait3A_837 = tpu.memref_squeeze %dma_wait3A_836 : memref<1x1x1x224x224xf32, #tpu.memory_space<vmem_shared>> -> memref<1x224x224xf32, #tpu.memory_space<vmem_shared>>
    %dma_wait3A_838 = arith.constant 0 : i32
    %dma_wait3A_839 = arith.constant 0 : i32
    %dma_wait3A_840 = tpu.memref_slice %arg2[%squeeze3A_780, %dma_wait3A_838, %dma_wait3A_839] : memref<768x224x224xf32, #tpu.memory_space<hbm>> -> memref<1x224x224xf32, #tpu.memory_space<hbm>>
    tpu.wait_dma2 semaphore(%arg9 : memref<!tpu.dma_semaphore, #tpu.memory_space<semaphore_mem>>) src(%dma_wait3A_840 : memref<1x224x224xf32, #tpu.memory_space<hbm>>) dst(%dma_wait3A_837 : memref<1x224x224xf32, #tpu.memory_space<vmem_shared>>)
    %add3A_841 = arith.constant 14 : i32
    %add3A_842 = arith.addi %mul3A_2, %add3A_841 : i32
    %dma_start3A_843 = arith.constant 0 : i32
    %dma_start3A_844 = arith.constant 0 : i32
    %dma_start3A_845 = arith.constant 0 : i32
    %dma_start3A_846 = tpu.memref_slice %arg4[%add3A_842, %dma_start3A_844, %dma_start3A_845] : memref<768x224x224xf32, #tpu.memory_space<hbm>> -> memref<1x224x224xf32, #tpu.memory_space<hbm>>
    %dma_start3A_847 = arith.constant 0 : i32
    %dma_start3A_848 = arith.constant 0 : i32
    %dma_start3A_849 = arith.constant 0 : i32
    %dma_start3A_850 = tpu.memref_slice %arg8[%arg1, %dma_start3A_843, %dma_start3A_847, %dma_start3A_848, %dma_start3A_849] : memref<16x2x1x224x224xf32, #tpu.memory_space<vmem_shared>> -> memref<1x1x1x224x224xf32, #tpu.memory_space<vmem_shared>>
    %dma_start3A_851 = tpu.memref_squeeze %dma_start3A_850 : memref<1x1x1x224x224xf32, #tpu.memory_space<vmem_shared>> -> memref<1x224x224xf32, #tpu.memory_space<vmem_shared>>
    tpu.enqueue_dma source(%dma_start3A_851 : memref<1x224x224xf32, #tpu.memory_space<vmem_shared>>) target(%dma_start3A_846 : memref<1x224x224xf32, #tpu.memory_space<hbm>>) target_semaphore(%arg11 : memref<!tpu.dma_semaphore, #tpu.memory_space<semaphore_mem>>)
    %dma_wait3A_852 = arith.constant 0 : i32
    %dma_wait3A_853 = arith.constant 0 : i32
    %dma_wait3A_854 = arith.constant 0 : i32
    %dma_wait3A_855 = tpu.memref_slice %arg4[%add3A_842, %dma_wait3A_853, %dma_wait3A_854] : memref<768x224x224xf32, #tpu.memory_space<hbm>> -> memref<1x224x224xf32, #tpu.memory_space<hbm>>
    %dma_wait3A_856 = arith.constant 0 : i32
    %dma_wait3A_857 = arith.constant 0 : i32
    %dma_wait3A_858 = arith.constant 0 : i32
    %dma_wait3A_859 = tpu.memref_slice %arg8[%arg1, %dma_wait3A_852, %dma_wait3A_856, %dma_wait3A_857, %dma_wait3A_858] : memref<16x2x1x224x224xf32, #tpu.memory_space<vmem_shared>> -> memref<1x1x1x224x224xf32, #tpu.memory_space<vmem_shared>>
    %dma_wait3A_860 = tpu.memref_squeeze %dma_wait3A_859 : memref<1x1x1x224x224xf32, #tpu.memory_space<vmem_shared>> -> memref<1x224x224xf32, #tpu.memory_space<vmem_shared>>
    tpu.wait_dma2 semaphore(%arg11 : memref<!tpu.dma_semaphore, #tpu.memory_space<semaphore_mem>>) src(%dma_wait3A_860 : memref<1x224x224xf32, #tpu.memory_space<vmem_shared>>) dst(%dma_wait3A_855 : memref<1x224x224xf32, #tpu.memory_space<hbm>>)
    %get3A_861 = arith.constant 128 : index
    %get3A_862 = tpu.vector_load %arg7[%get3A_861] {strides = array<i32>} : memref<256xi32, #tpu.memory_space<vmem>>, vector<16xi32>,
    %slice3A_863 = vector.extract_strided_slice %get3A_862 {offsets = [0], sizes = [1], strides = [1]} : vector<16xi32> to vector<1xi32>
    %squeeze3A_864 = vector.extract %slice3A_863[0] : i32 from vector<1xi32>
    %dma_start3A_865 = arith.constant 0 : i32
    %dma_start3A_866 = arith.constant 0 : i32
    %dma_start3A_867 = arith.constant 0 : i32
    %dma_start3A_868 = arith.constant 0 : i32
    %dma_start3A_869 = tpu.memref_slice %arg8[%arg1, %dma_start3A_865, %dma_start3A_866, %dma_start3A_867, %dma_start3A_868] : memref<16x2x1x224x224xf32, #tpu.memory_space<vmem_shared>> -> memref<1x1x1x224x224xf32, #tpu.memory_space<vmem_shared>>
    %dma_start3A_870 = tpu.memref_squeeze %dma_start3A_869 : memref<1x1x1x224x224xf32, #tpu.memory_space<vmem_shared>> -> memref<1x224x224xf32, #tpu.memory_space<vmem_shared>>
    %dma_start3A_871 = arith.constant 0 : i32
    %dma_start3A_872 = arith.constant 0 : i32
    %dma_start3A_873 = tpu.memref_slice %arg2[%squeeze3A_864, %dma_start3A_871, %dma_start3A_872] : memref<768x224x224xf32, #tpu.memory_space<hbm>> -> memref<1x224x224xf32, #tpu.memory_space<hbm>>
    tpu.enqueue_dma source(%dma_start3A_873 : memref<1x224x224xf32, #tpu.memory_space<hbm>>) target(%dma_start3A_870 : memref<1x224x224xf32, #tpu.memory_space<vmem_shared>>) target_semaphore(%arg9 : memref<!tpu.dma_semaphore, #tpu.memory_space<semaphore_mem>>)
    %dma_wait3A_874 = arith.constant 1 : i32
    %dma_wait3A_875 = arith.constant 0 : i32
    %dma_wait3A_876 = arith.constant 0 : i32
    %dma_wait3A_877 = arith.constant 0 : i32
    %dma_wait3A_878 = tpu.memref_slice %arg8[%arg1, %dma_wait3A_874, %dma_wait3A_875, %dma_wait3A_876, %dma_wait3A_877] : memref<16x2x1x224x224xf32, #tpu.memory_space<vmem_shared>> -> memref<1x1x1x224x224xf32, #tpu.memory_space<vmem_shared>>
    %dma_wait3A_879 = tpu.memref_squeeze %dma_wait3A_878 : memref<1x1x1x224x224xf32, #tpu.memory_space<vmem_shared>> -> memref<1x224x224xf32, #tpu.memory_space<vmem_shared>>
    %dma_wait3A_880 = arith.constant 0 : i32
    %dma_wait3A_881 = arith.constant 0 : i32
    %dma_wait3A_882 = tpu.memref_slice %arg2[%squeeze3A_822, %dma_wait3A_880, %dma_wait3A_881] : memref<768x224x224xf32, #tpu.memory_space<hbm>> -> memref<1x224x224xf32, #tpu.memory_space<hbm>>
    tpu.wait_dma2 semaphore(%arg10 : memref<!tpu.dma_semaphore, #tpu.memory_space<semaphore_mem>>) src(%dma_wait3A_882 : memref<1x224x224xf32, #tpu.memory_space<hbm>>) dst(%dma_wait3A_879 : memref<1x224x224xf32, #tpu.memory_space<vmem_shared>>)
    %add3A_883 = arith.constant 15 : i32
    %add3A_884 = arith.addi %mul3A_2, %add3A_883 : i32
    %dma_start3A_885 = arith.constant 1 : i32
    %dma_start3A_886 = arith.constant 0 : i32
    %dma_start3A_887 = arith.constant 0 : i32
    %dma_start3A_888 = tpu.memref_slice %arg4[%add3A_884, %dma_start3A_886, %dma_start3A_887] : memref<768x224x224xf32, #tpu.memory_space<hbm>> -> memref<1x224x224xf32, #tpu.memory_space<hbm>>
    %dma_start3A_889 = arith.constant 0 : i32
    %dma_start3A_890 = arith.constant 0 : i32
    %dma_start3A_891 = arith.constant 0 : i32
    %dma_start3A_892 = tpu.memref_slice %arg8[%arg1, %dma_start3A_885, %dma_start3A_889, %dma_start3A_890, %dma_start3A_891] : memref<16x2x1x224x224xf32, #tpu.memory_space<vmem_shared>> -> memref<1x1x1x224x224xf32, #tpu.memory_space<vmem_shared>>
    %dma_start3A_893 = tpu.memref_squeeze %dma_start3A_892 : memref<1x1x1x224x224xf32, #tpu.memory_space<vmem_shared>> -> memref<1x224x224xf32, #tpu.memory_space<vmem_shared>>
    tpu.enqueue_dma source(%dma_start3A_893 : memref<1x224x224xf32, #tpu.memory_space<vmem_shared>>) target(%dma_start3A_888 : memref<1x224x224xf32, #tpu.memory_space<hbm>>) target_semaphore(%arg12 : memref<!tpu.dma_semaphore, #tpu.memory_space<semaphore_mem>>)
    %dma_wait3A_894 = arith.constant 1 : i32
    %dma_wait3A_895 = arith.constant 0 : i32
    %dma_wait3A_896 = arith.constant 0 : i32
    %dma_wait3A_897 = tpu.memref_slice %arg4[%add3A_884, %dma_wait3A_895, %dma_wait3A_896] : memref<768x224x224xf32, #tpu.memory_space<hbm>> -> memref<1x224x224xf32, #tpu.memory_space<hbm>>
    %dma_wait3A_898 = arith.constant 0 : i32
    %dma_wait3A_899 = arith.constant 0 : i32
    %dma_wait3A_900 = arith.constant 0 : i32
    %dma_wait3A_901 = tpu.memref_slice %arg8[%arg1, %dma_wait3A_894, %dma_wait3A_898, %dma_wait3A_899, %dma_wait3A_900] : memref<16x2x1x224x224xf32, #tpu.memory_space<vmem_shared>> -> memref<1x1x1x224x224xf32, #tpu.memory_space<vmem_shared>>
    %dma_wait3A_902 = tpu.memref_squeeze %dma_wait3A_901 : memref<1x1x1x224x224xf32, #tpu.memory_space<vmem_shared>> -> memref<1x224x224xf32, #tpu.memory_space<vmem_shared>>
    tpu.wait_dma2 semaphore(%arg12 : memref<!tpu.dma_semaphore, #tpu.memory_space<semaphore_mem>>) src(%dma_wait3A_902 : memref<1x224x224xf32, #tpu.memory_space<vmem_shared>>) dst(%dma_wait3A_897 : memref<1x224x224xf32, #tpu.memory_space<hbm>>)
    %get3A_903 = arith.constant 136 : index
    %get3A_904 = tpu.vector_load %arg7[%get3A_903] {strides = array<i32>} : memref<256xi32, #tpu.memory_space<vmem>>, vector<16xi32>,
    %slice3A_905 = vector.extract_strided_slice %get3A_904 {offsets = [0], sizes = [1], strides = [1]} : vector<16xi32> to vector<1xi32>
    %squeeze3A_906 = vector.extract %slice3A_905[0] : i32 from vector<1xi32>
    %dma_start3A_907 = arith.constant 1 : i32
    %dma_start3A_908 = arith.constant 0 : i32
    %dma_start3A_909 = arith.constant 0 : i32
    %dma_start3A_910 = arith.constant 0 : i32
    %dma_start3A_911 = tpu.memref_slice %arg8[%arg1, %dma_start3A_907, %dma_start3A_908, %dma_start3A_909, %dma_start3A_910] : memref<16x2x1x224x224xf32, #tpu.memory_space<vmem_shared>> -> memref<1x1x1x224x224xf32, #tpu.memory_space<vmem_shared>>
    %dma_start3A_912 = tpu.memref_squeeze %dma_start3A_911 : memref<1x1x1x224x224xf32, #tpu.memory_space<vmem_shared>> -> memref<1x224x224xf32, #tpu.memory_space<vmem_shared>>
    %dma_start3A_913 = arith.constant 0 : i32
    %dma_start3A_914 = arith.constant 0 : i32
    %dma_start3A_915 = tpu.memref_slice %arg2[%squeeze3A_906, %dma_start3A_913, %dma_start3A_914] : memref<768x224x224xf32, #tpu.memory_space<hbm>> -> memref<1x224x224xf32, #tpu.memory_space<hbm>>
    tpu.enqueue_dma source(%dma_start3A_915 : memref<1x224x224xf32, #tpu.memory_space<hbm>>) target(%dma_start3A_912 : memref<1x224x224xf32, #tpu.memory_space<vmem_shared>>) target_semaphore(%arg10 : memref<!tpu.dma_semaphore, #tpu.memory_space<semaphore_mem>>)
    %dma_wait3A_916 = arith.constant 0 : i32
    %dma_wait3A_917 = arith.constant 0 : i32
    %dma_wait3A_918 = arith.constant 0 : i32
    %dma_wait3A_919 = arith.constant 0 : i32
    %dma_wait3A_920 = tpu.memref_slice %arg8[%arg1, %dma_wait3A_916, %dma_wait3A_917, %dma_wait3A_918, %dma_wait3A_919] : memref<16x2x1x224x224xf32, #tpu.memory_space<vmem_shared>> -> memref<1x1x1x224x224xf32, #tpu.memory_space<vmem_shared>>
    %dma_wait3A_921 = tpu.memref_squeeze %dma_wait3A_920 : memref<1x1x1x224x224xf32, #tpu.memory_space<vmem_shared>> -> memref<1x224x224xf32, #tpu.memory_space<vmem_shared>>
    %dma_wait3A_922 = arith.constant 0 : i32
    %dma_wait3A_923 = arith.constant 0 : i32
    %dma_wait3A_924 = tpu.memref_slice %arg2[%squeeze3A_864, %dma_wait3A_922, %dma_wait3A_923] : memref<768x224x224xf32, #tpu.memory_space<hbm>> -> memref<1x224x224xf32, #tpu.memory_space<hbm>>
    tpu.wait_dma2 semaphore(%arg9 : memref<!tpu.dma_semaphore, #tpu.memory_space<semaphore_mem>>) src(%dma_wait3A_924 : memref<1x224x224xf32, #tpu.memory_space<hbm>>) dst(%dma_wait3A_921 : memref<1x224x224xf32, #tpu.memory_space<vmem_shared>>)
    %add3A_925 = arith.constant 16 : i32
    %add3A_926 = arith.addi %mul3A_2, %add3A_925 : i32
    %dma_start3A_927 = arith.constant 0 : i32
    %dma_start3A_928 = arith.constant 0 : i32
    %dma_start3A_929 = arith.constant 0 : i32
    %dma_start3A_930 = tpu.memref_slice %arg4[%add3A_926, %dma_start3A_928, %dma_start3A_929] : memref<768x224x224xf32, #tpu.memory_space<hbm>> -> memref<1x224x224xf32, #tpu.memory_space<hbm>>
    %dma_start3A_931 = arith.constant 0 : i32
    %dma_start3A_932 = arith.constant 0 : i32
    %dma_start3A_933 = arith.constant 0 : i32
    %dma_start3A_934 = tpu.memref_slice %arg8[%arg1, %dma_start3A_927, %dma_start3A_931, %dma_start3A_932, %dma_start3A_933] : memref<16x2x1x224x224xf32, #tpu.memory_space<vmem_shared>> -> memref<1x1x1x224x224xf32, #tpu.memory_space<vmem_shared>>
    %dma_start3A_935 = tpu.memref_squeeze %dma_start3A_934 : memref<1x1x1x224x224xf32, #tpu.memory_space<vmem_shared>> -> memref<1x224x224xf32, #tpu.memory_space<vmem_shared>>
    tpu.enqueue_dma source(%dma_start3A_935 : memref<1x224x224xf32, #tpu.memory_space<vmem_shared>>) target(%dma_start3A_930 : memref<1x224x224xf32, #tpu.memory_space<hbm>>) target_semaphore(%arg11 : memref<!tpu.dma_semaphore, #tpu.memory_space<semaphore_mem>>)
    %dma_wait3A_936 = arith.constant 0 : i32
    %dma_wait3A_937 = arith.constant 0 : i32
    %dma_wait3A_938 = arith.constant 0 : i32
    %dma_wait3A_939 = tpu.memref_slice %arg4[%add3A_926, %dma_wait3A_937, %dma_wait3A_938] : memref<768x224x224xf32, #tpu.memory_space<hbm>> -> memref<1x224x224xf32, #tpu.memory_space<hbm>>
    %dma_wait3A_940 = arith.constant 0 : i32
    %dma_wait3A_941 = arith.constant 0 : i32
    %dma_wait3A_942 = arith.constant 0 : i32
    %dma_wait3A_943 = tpu.memref_slice %arg8[%arg1, %dma_wait3A_936, %dma_wait3A_940, %dma_wait3A_941, %dma_wait3A_942] : memref<16x2x1x224x224xf32, #tpu.memory_space<vmem_shared>> -> memref<1x1x1x224x224xf32, #tpu.memory_space<vmem_shared>>
    %dma_wait3A_944 = tpu.memref_squeeze %dma_wait3A_943 : memref<1x1x1x224x224xf32, #tpu.memory_space<vmem_shared>> -> memref<1x224x224xf32, #tpu.memory_space<vmem_shared>>
    tpu.wait_dma2 semaphore(%arg11 : memref<!tpu.dma_semaphore, #tpu.memory_space<semaphore_mem>>) src(%dma_wait3A_944 : memref<1x224x224xf32, #tpu.memory_space<vmem_shared>>) dst(%dma_wait3A_939 : memref<1x224x224xf32, #tpu.memory_space<hbm>>)
    %get3A_945 = arith.constant 144 : index
    %get3A_946 = tpu.vector_load %arg7[%get3A_945] {strides = array<i32>} : memref<256xi32, #tpu.memory_space<vmem>>, vector<16xi32>,
    %slice3A_947 = vector.extract_strided_slice %get3A_946 {offsets = [0], sizes = [1], strides = [1]} : vector<16xi32> to vector<1xi32>
    %squeeze3A_948 = vector.extract %slice3A_947[0] : i32 from vector<1xi32>
    %dma_start3A_949 = arith.constant 0 : i32
    %dma_start3A_950 = arith.constant 0 : i32
    %dma_start3A_951 = arith.constant 0 : i32
    %dma_start3A_952 = arith.constant 0 : i32
    %dma_start3A_953 = tpu.memref_slice %arg8[%arg1, %dma_start3A_949, %dma_start3A_950, %dma_start3A_951, %dma_start3A_952] : memref<16x2x1x224x224xf32, #tpu.memory_space<vmem_shared>> -> memref<1x1x1x224x224xf32, #tpu.memory_space<vmem_shared>>
    %dma_start3A_954 = tpu.memref_squeeze %dma_start3A_953 : memref<1x1x1x224x224xf32, #tpu.memory_space<vmem_shared>> -> memref<1x224x224xf32, #tpu.memory_space<vmem_shared>>
    %dma_start3A_955 = arith.constant 0 : i32
    %dma_start3A_956 = arith.constant 0 : i32
    %dma_start3A_957 = tpu.memref_slice %arg2[%squeeze3A_948, %dma_start3A_955, %dma_start3A_956] : memref<768x224x224xf32, #tpu.memory_space<hbm>> -> memref<1x224x224xf32, #tpu.memory_space<hbm>>
    tpu.enqueue_dma source(%dma_start3A_957 : memref<1x224x224xf32, #tpu.memory_space<hbm>>) target(%dma_start3A_954 : memref<1x224x224xf32, #tpu.memory_space<vmem_shared>>) target_semaphore(%arg9 : memref<!tpu.dma_semaphore, #tpu.memory_space<semaphore_mem>>)
    %dma_wait3A_958 = arith.constant 1 : i32
    %dma_wait3A_959 = arith.constant 0 : i32
    %dma_wait3A_960 = arith.constant 0 : i32
    %dma_wait3A_961 = arith.constant 0 : i32
    %dma_wait3A_962 = tpu.memref_slice %arg8[%arg1, %dma_wait3A_958, %dma_wait3A_959, %dma_wait3A_960, %dma_wait3A_961] : memref<16x2x1x224x224xf32, #tpu.memory_space<vmem_shared>> -> memref<1x1x1x224x224xf32, #tpu.memory_space<vmem_shared>>
    %dma_wait3A_963 = tpu.memref_squeeze %dma_wait3A_962 : memref<1x1x1x224x224xf32, #tpu.memory_space<vmem_shared>> -> memref<1x224x224xf32, #tpu.memory_space<vmem_shared>>
    %dma_wait3A_964 = arith.constant 0 : i32
    %dma_wait3A_965 = arith.constant 0 : i32
    %dma_wait3A_966 = tpu.memref_slice %arg2[%squeeze3A_906, %dma_wait3A_964, %dma_wait3A_965] : memref<768x224x224xf32, #tpu.memory_space<hbm>> -> memref<1x224x224xf32, #tpu.memory_space<hbm>>
    tpu.wait_dma2 semaphore(%arg10 : memref<!tpu.dma_semaphore, #tpu.memory_space<semaphore_mem>>) src(%dma_wait3A_966 : memref<1x224x224xf32, #tpu.memory_space<hbm>>) dst(%dma_wait3A_963 : memref<1x224x224xf32, #tpu.memory_space<vmem_shared>>)
    %add3A_967 = arith.constant 17 : i32
    %add3A_968 = arith.addi %mul3A_2, %add3A_967 : i32
    %dma_start3A_969 = arith.constant 1 : i32
    %dma_start3A_970 = arith.constant 0 : i32
    %dma_start3A_971 = arith.constant 0 : i32
    %dma_start3A_972 = tpu.memref_slice %arg4[%add3A_968, %dma_start3A_970, %dma_start3A_971] : memref<768x224x224xf32, #tpu.memory_space<hbm>> -> memref<1x224x224xf32, #tpu.memory_space<hbm>>
    %dma_start3A_973 = arith.constant 0 : i32
    %dma_start3A_974 = arith.constant 0 : i32
    %dma_start3A_975 = arith.constant 0 : i32
    %dma_start3A_976 = tpu.memref_slice %arg8[%arg1, %dma_start3A_969, %dma_start3A_973, %dma_start3A_974, %dma_start3A_975] : memref<16x2x1x224x224xf32, #tpu.memory_space<vmem_shared>> -> memref<1x1x1x224x224xf32, #tpu.memory_space<vmem_shared>>
    %dma_start3A_977 = tpu.memref_squeeze %dma_start3A_976 : memref<1x1x1x224x224xf32, #tpu.memory_space<vmem_shared>> -> memref<1x224x224xf32, #tpu.memory_space<vmem_shared>>
    tpu.enqueue_dma source(%dma_start3A_977 : memref<1x224x224xf32, #tpu.memory_space<vmem_shared>>) target(%dma_start3A_972 : memref<1x224x224xf32, #tpu.memory_space<hbm>>) target_semaphore(%arg12 : memref<!tpu.dma_semaphore, #tpu.memory_space<semaphore_mem>>)
    %dma_wait3A_978 = arith.constant 1 : i32
    %dma_wait3A_979 = arith.constant 0 : i32
    %dma_wait3A_980 = arith.constant 0 : i32
    %dma_wait3A_981 = tpu.memref_slice %arg4[%add3A_968, %dma_wait3A_979, %dma_wait3A_980] : memref<768x224x224xf32, #tpu.memory_space<hbm>> -> memref<1x224x224xf32, #tpu.memory_space<hbm>>
    %dma_wait3A_982 = arith.constant 0 : i32
    %dma_wait3A_983 = arith.constant 0 : i32
    %dma_wait3A_984 = arith.constant 0 : i32
    %dma_wait3A_985 = tpu.memref_slice %arg8[%arg1, %dma_wait3A_978, %dma_wait3A_982, %dma_wait3A_983, %dma_wait3A_984] : memref<16x2x1x224x224xf32, #tpu.memory_space<vmem_shared>> -> memref<1x1x1x224x224xf32, #tpu.memory_space<vmem_shared>>
    %dma_wait3A_986 = tpu.memref_squeeze %dma_wait3A_985 : memref<1x1x1x224x224xf32, #tpu.memory_space<vmem_shared>> -> memref<1x224x224xf32, #tpu.memory_space<vmem_shared>>
    tpu.wait_dma2 semaphore(%arg12 : memref<!tpu.dma_semaphore, #tpu.memory_space<semaphore_mem>>) src(%dma_wait3A_986 : memref<1x224x224xf32, #tpu.memory_space<vmem_shared>>) dst(%dma_wait3A_981 : memref<1x224x224xf32, #tpu.memory_space<hbm>>)
    %get3A_987 = arith.constant 152 : index
    %get3A_988 = tpu.vector_load %arg7[%get3A_987] {strides = array<i32>} : memref<256xi32, #tpu.memory_space<vmem>>, vector<16xi32>,
    %slice3A_989 = vector.extract_strided_slice %get3A_988 {offsets = [0], sizes = [1], strides = [1]} : vector<16xi32> to vector<1xi32>
    %squeeze3A_990 = vector.extract %slice3A_989[0] : i32 from vector<1xi32>
    %dma_start3A_991 = arith.constant 1 : i32
    %dma_start3A_992 = arith.constant 0 : i32
    %dma_start3A_993 = arith.constant 0 : i32
    %dma_start3A_994 = arith.constant 0 : i32
    %dma_start3A_995 = tpu.memref_slice %arg8[%arg1, %dma_start3A_991, %dma_start3A_992, %dma_start3A_993, %dma_start3A_994] : memref<16x2x1x224x224xf32, #tpu.memory_space<vmem_shared>> -> memref<1x1x1x224x224xf32, #tpu.memory_space<vmem_shared>>
    %dma_start3A_996 = tpu.memref_squeeze %dma_start3A_995 : memref<1x1x1x224x224xf32, #tpu.memory_space<vmem_shared>> -> memref<1x224x224xf32, #tpu.memory_space<vmem_shared>>
    %dma_start3A_997 = arith.constant 0 : i32
    %dma_start3A_998 = arith.constant 0 : i32
    %dma_start3A_999 = tpu.memref_slice %arg2[%squeeze3A_990, %dma_start3A_997, %dma_start3A_998] : memref<768x224x224xf32, #tpu.memory_space<hbm>> -> memref<1x224x224xf32, #tpu.memory_space<hbm>>
    tpu.enqueue_dma source(%dma_start3A_999 : memref<1x224x224xf32, #tpu.memory_space<hbm>>) target(%dma_start3A_996 : memref<1x224x224xf32, #tpu.memory_space<vmem_shared>>) target_semaphore(%arg10 : memref<!tpu.dma_semaphore, #tpu.memory_space<semaphore_mem>>)
    %dma_wait3A_1000 = arith.constant 0 : i32
    %dma_wait3A_1001 = arith.constant 0 : i32
    %dma_wait3A_1002 = arith.constant 0 : i32
    %dma_wait3A_1003 = arith.constant 0 : i32
    %dma_wait3A_1004 = tpu.memref_slice %arg8[%arg1, %dma_wait3A_1000, %dma_wait3A_1001, %dma_wait3A_1002, %dma_wait3A_1003] : memref<16x2x1x224x224xf32, #tpu.memory_space<vmem_shared>> -> memref<1x1x1x224x224xf32, #tpu.memory_space<vmem_shared>>
    %dma_wait3A_1005 = tpu.memref_squeeze %dma_wait3A_1004 : memref<1x1x1x224x224xf32, #tpu.memory_space<vmem_shared>> -> memref<1x224x224xf32, #tpu.memory_space<vmem_shared>>
    %dma_wait3A_1006 = arith.constant 0 : i32
    %dma_wait3A_1007 = arith.constant 0 : i32
    %dma_wait3A_1008 = tpu.memref_slice %arg2[%squeeze3A_948, %dma_wait3A_1006, %dma_wait3A_1007] : memref<768x224x224xf32, #tpu.memory_space<hbm>> -> memref<1x224x224xf32, #tpu.memory_space<hbm>>
    tpu.wait_dma2 semaphore(%arg9 : memref<!tpu.dma_semaphore, #tpu.memory_space<semaphore_mem>>) src(%dma_wait3A_1008 : memref<1x224x224xf32, #tpu.memory_space<hbm>>) dst(%dma_wait3A_1005 : memref<1x224x224xf32, #tpu.memory_space<vmem_shared>>)
    %add3A_1009 = arith.constant 18 : i32
    %add3A_1010 = arith.addi %mul3A_2, %add3A_1009 : i32
    %dma_start3A_1011 = arith.constant 0 : i32
    %dma_start3A_1012 = arith.constant 0 : i32
    %dma_start3A_1013 = arith.constant 0 : i32
    %dma_start3A_1014 = tpu.memref_slice %arg4[%add3A_1010, %dma_start3A_1012, %dma_start3A_1013] : memref<768x224x224xf32, #tpu.memory_space<hbm>> -> memref<1x224x224xf32, #tpu.memory_space<hbm>>
    %dma_start3A_1015 = arith.constant 0 : i32
    %dma_start3A_1016 = arith.constant 0 : i32
    %dma_start3A_1017 = arith.constant 0 : i32
    %dma_start3A_1018 = tpu.memref_slice %arg8[%arg1, %dma_start3A_1011, %dma_start3A_1015, %dma_start3A_1016, %dma_start3A_1017] : memref<16x2x1x224x224xf32, #tpu.memory_space<vmem_shared>> -> memref<1x1x1x224x224xf32, #tpu.memory_space<vmem_shared>>
    %dma_start3A_1019 = tpu.memref_squeeze %dma_start3A_1018 : memref<1x1x1x224x224xf32, #tpu.memory_space<vmem_shared>> -> memref<1x224x224xf32, #tpu.memory_space<vmem_shared>>
    tpu.enqueue_dma source(%dma_start3A_1019 : memref<1x224x224xf32, #tpu.memory_space<vmem_shared>>) target(%dma_start3A_1014 : memref<1x224x224xf32, #tpu.memory_space<hbm>>) target_semaphore(%arg11 : memref<!tpu.dma_semaphore, #tpu.memory_space<semaphore_mem>>)
    %dma_wait3A_1020 = arith.constant 0 : i32
    %dma_wait3A_1021 = arith.constant 0 : i32
    %dma_wait3A_1022 = arith.constant 0 : i32
    %dma_wait3A_1023 = tpu.memref_slice %arg4[%add3A_1010, %dma_wait3A_1021, %dma_wait3A_1022] : memref<768x224x224xf32, #tpu.memory_space<hbm>> -> memref<1x224x224xf32, #tpu.memory_space<hbm>>
    %dma_wait3A_1024 = arith.constant 0 : i32
    %dma_wait3A_1025 = arith.constant 0 : i32
    %dma_wait3A_1026 = arith.constant 0 : i32
    %dma_wait3A_1027 = tpu.memref_slice %arg8[%arg1, %dma_wait3A_1020, %dma_wait3A_1024, %dma_wait3A_1025, %dma_wait3A_1026] : memref<16x2x1x224x224xf32, #tpu.memory_space<vmem_shared>> -> memref<1x1x1x224x224xf32, #tpu.memory_space<vmem_shared>>
    %dma_wait3A_1028 = tpu.memref_squeeze %dma_wait3A_1027 : memref<1x1x1x224x224xf32, #tpu.memory_space<vmem_shared>> -> memref<1x224x224xf32, #tpu.memory_space<vmem_shared>>
    tpu.wait_dma2 semaphore(%arg11 : memref<!tpu.dma_semaphore, #tpu.memory_space<semaphore_mem>>) src(%dma_wait3A_1028 : memref<1x224x224xf32, #tpu.memory_space<vmem_shared>>) dst(%dma_wait3A_1023 : memref<1x224x224xf32, #tpu.memory_space<hbm>>)
    %get3A_1029 = arith.constant 160 : index
    %get3A_1030 = tpu.vector_load %arg7[%get3A_1029] {strides = array<i32>} : memref<256xi32, #tpu.memory_space<vmem>>, vector<16xi32>,
    %slice3A_1031 = vector.extract_strided_slice %get3A_1030 {offsets = [0], sizes = [1], strides = [1]} : vector<16xi32> to vector<1xi32>
    %squeeze3A_1032 = vector.extract %slice3A_1031[0] : i32 from vector<1xi32>
    %dma_start3A_1033 = arith.constant 0 : i32
    %dma_start3A_1034 = arith.constant 0 : i32
    %dma_start3A_1035 = arith.constant 0 : i32
    %dma_start3A_1036 = arith.constant 0 : i32
    %dma_start3A_1037 = tpu.memref_slice %arg8[%arg1, %dma_start3A_1033, %dma_start3A_1034, %dma_start3A_1035, %dma_start3A_1036] : memref<16x2x1x224x224xf32, #tpu.memory_space<vmem_shared>> -> memref<1x1x1x224x224xf32, #tpu.memory_space<vmem_shared>>
    %dma_start3A_1038 = tpu.memref_squeeze %dma_start3A_1037 : memref<1x1x1x224x224xf32, #tpu.memory_space<vmem_shared>> -> memref<1x224x224xf32, #tpu.memory_space<vmem_shared>>
    %dma_start3A_1039 = arith.constant 0 : i32
    %dma_start3A_1040 = arith.constant 0 : i32
    %dma_start3A_1041 = tpu.memref_slice %arg2[%squeeze3A_1032, %dma_start3A_1039, %dma_start3A_1040] : memref<768x224x224xf32, #tpu.memory_space<hbm>> -> memref<1x224x224xf32, #tpu.memory_space<hbm>>
    tpu.enqueue_dma source(%dma_start3A_1041 : memref<1x224x224xf32, #tpu.memory_space<hbm>>) target(%dma_start3A_1038 : memref<1x224x224xf32, #tpu.memory_space<vmem_shared>>) target_semaphore(%arg9 : memref<!tpu.dma_semaphore, #tpu.memory_space<semaphore_mem>>)
    %dma_wait3A_1042 = arith.constant 1 : i32
    %dma_wait3A_1043 = arith.constant 0 : i32
    %dma_wait3A_1044 = arith.constant 0 : i32
    %dma_wait3A_1045 = arith.constant 0 : i32
    %dma_wait3A_1046 = tpu.memref_slice %arg8[%arg1, %dma_wait3A_1042, %dma_wait3A_1043, %dma_wait3A_1044, %dma_wait3A_1045] : memref<16x2x1x224x224xf32, #tpu.memory_space<vmem_shared>> -> memref<1x1x1x224x224xf32, #tpu.memory_space<vmem_shared>>
    %dma_wait3A_1047 = tpu.memref_squeeze %dma_wait3A_1046 : memref<1x1x1x224x224xf32, #tpu.memory_space<vmem_shared>> -> memref<1x224x224xf32, #tpu.memory_space<vmem_shared>>
    %dma_wait3A_1048 = arith.constant 0 : i32
    %dma_wait3A_1049 = arith.constant 0 : i32
    %dma_wait3A_1050 = tpu.memref_slice %arg2[%squeeze3A_990, %dma_wait3A_1048, %dma_wait3A_1049] : memref<768x224x224xf32, #tpu.memory_space<hbm>> -> memref<1x224x224xf32, #tpu.memory_space<hbm>>
    tpu.wait_dma2 semaphore(%arg10 : memref<!tpu.dma_semaphore, #tpu.memory_space<semaphore_mem>>) src(%dma_wait3A_1050 : memref<1x224x224xf32, #tpu.memory_space<hbm>>) dst(%dma_wait3A_1047 : memref<1x224x224xf32, #tpu.memory_space<vmem_shared>>)
    %add3A_1051 = arith.constant 19 : i32
    %add3A_1052 = arith.addi %mul3A_2, %add3A_1051 : i32
    %dma_start3A_1053 = arith.constant 1 : i32
    %dma_start3A_1054 = arith.constant 0 : i32
    %dma_start3A_1055 = arith.constant 0 : i32
    %dma_start3A_1056 = tpu.memref_slice %arg4[%add3A_1052, %dma_start3A_1054, %dma_start3A_1055] : memref<768x224x224xf32, #tpu.memory_space<hbm>> -> memref<1x224x224xf32, #tpu.memory_space<hbm>>
    %dma_start3A_1057 = arith.constant 0 : i32
    %dma_start3A_1058 = arith.constant 0 : i32
    %dma_start3A_1059 = arith.constant 0 : i32
    %dma_start3A_1060 = tpu.memref_slice %arg8[%arg1, %dma_start3A_1053, %dma_start3A_1057, %dma_start3A_1058, %dma_start3A_1059] : memref<16x2x1x224x224xf32, #tpu.memory_space<vmem_shared>> -> memref<1x1x1x224x224xf32, #tpu.memory_space<vmem_shared>>
    %dma_start3A_1061 = tpu.memref_squeeze %dma_start3A_1060 : memref<1x1x1x224x224xf32, #tpu.memory_space<vmem_shared>> -> memref<1x224x224xf32, #tpu.memory_space<vmem_shared>>
    tpu.enqueue_dma source(%dma_start3A_1061 : memref<1x224x224xf32, #tpu.memory_space<vmem_shared>>) target(%dma_start3A_1056 : memref<1x224x224xf32, #tpu.memory_space<hbm>>) target_semaphore(%arg12 : memref<!tpu.dma_semaphore, #tpu.memory_space<semaphore_mem>>)
    %dma_wait3A_1062 = arith.constant 1 : i32
    %dma_wait3A_1063 = arith.constant 0 : i32
    %dma_wait3A_1064 = arith.constant 0 : i32
    %dma_wait3A_1065 = tpu.memref_slice %arg4[%add3A_1052, %dma_wait3A_1063, %dma_wait3A_1064] : memref<768x224x224xf32, #tpu.memory_space<hbm>> -> memref<1x224x224xf32, #tpu.memory_space<hbm>>
    %dma_wait3A_1066 = arith.constant 0 : i32
    %dma_wait3A_1067 = arith.constant 0 : i32
    %dma_wait3A_1068 = arith.constant 0 : i32
    %dma_wait3A_1069 = tpu.memref_slice %arg8[%arg1, %dma_wait3A_1062, %dma_wait3A_1066, %dma_wait3A_1067, %dma_wait3A_1068] : memref<16x2x1x224x224xf32, #tpu.memory_space<vmem_shared>> -> memref<1x1x1x224x224xf32, #tpu.memory_space<vmem_shared>>
    %dma_wait3A_1070 = tpu.memref_squeeze %dma_wait3A_1069 : memref<1x1x1x224x224xf32, #tpu.memory_space<vmem_shared>> -> memref<1x224x224xf32, #tpu.memory_space<vmem_shared>>
    tpu.wait_dma2 semaphore(%arg12 : memref<!tpu.dma_semaphore, #tpu.memory_space<semaphore_mem>>) src(%dma_wait3A_1070 : memref<1x224x224xf32, #tpu.memory_space<vmem_shared>>) dst(%dma_wait3A_1065 : memref<1x224x224xf32, #tpu.memory_space<hbm>>)
    %get3A_1071 = arith.constant 168 : index
    %get3A_1072 = tpu.vector_load %arg7[%get3A_1071] {strides = array<i32>} : memref<256xi32, #tpu.memory_space<vmem>>, vector<16xi32>,
    %slice3A_1073 = vector.extract_strided_slice %get3A_1072 {offsets = [0], sizes = [1], strides = [1]} : vector<16xi32> to vector<1xi32>
    %squeeze3A_1074 = vector.extract %slice3A_1073[0] : i32 from vector<1xi32>
    %dma_start3A_1075 = arith.constant 1 : i32
    %dma_start3A_1076 = arith.constant 0 : i32
    %dma_start3A_1077 = arith.constant 0 : i32
    %dma_start3A_1078 = arith.constant 0 : i32
    %dma_start3A_1079 = tpu.memref_slice %arg8[%arg1, %dma_start3A_1075, %dma_start3A_1076, %dma_start3A_1077, %dma_start3A_1078] : memref<16x2x1x224x224xf32, #tpu.memory_space<vmem_shared>> -> memref<1x1x1x224x224xf32, #tpu.memory_space<vmem_shared>>
    %dma_start3A_1080 = tpu.memref_squeeze %dma_start3A_1079 : memref<1x1x1x224x224xf32, #tpu.memory_space<vmem_shared>> -> memref<1x224x224xf32, #tpu.memory_space<vmem_shared>>
    %dma_start3A_1081 = arith.constant 0 : i32
    %dma_start3A_1082 = arith.constant 0 : i32
    %dma_start3A_1083 = tpu.memref_slice %arg2[%squeeze3A_1074, %dma_start3A_1081, %dma_start3A_1082] : memref<768x224x224xf32, #tpu.memory_space<hbm>> -> memref<1x224x224xf32, #tpu.memory_space<hbm>>
    tpu.enqueue_dma source(%dma_start3A_1083 : memref<1x224x224xf32, #tpu.memory_space<hbm>>) target(%dma_start3A_1080 : memref<1x224x224xf32, #tpu.memory_space<vmem_shared>>) target_semaphore(%arg10 : memref<!tpu.dma_semaphore, #tpu.memory_space<semaphore_mem>>)
    %dma_wait3A_1084 = arith.constant 0 : i32
    %dma_wait3A_1085 = arith.constant 0 : i32
    %dma_wait3A_1086 = arith.constant 0 : i32
    %dma_wait3A_1087 = arith.constant 0 : i32
    %dma_wait3A_1088 = tpu.memref_slice %arg8[%arg1, %dma_wait3A_1084, %dma_wait3A_1085, %dma_wait3A_1086, %dma_wait3A_1087] : memref<16x2x1x224x224xf32, #tpu.memory_space<vmem_shared>> -> memref<1x1x1x224x224xf32, #tpu.memory_space<vmem_shared>>
    %dma_wait3A_1089 = tpu.memref_squeeze %dma_wait3A_1088 : memref<1x1x1x224x224xf32, #tpu.memory_space<vmem_shared>> -> memref<1x224x224xf32, #tpu.memory_space<vmem_shared>>
    %dma_wait3A_1090 = arith.constant 0 : i32
    %dma_wait3A_1091 = arith.constant 0 : i32
    %dma_wait3A_1092 = tpu.memref_slice %arg2[%squeeze3A_1032, %dma_wait3A_1090, %dma_wait3A_1091] : memref<768x224x224xf32, #tpu.memory_space<hbm>> -> memref<1x224x224xf32, #tpu.memory_space<hbm>>
    tpu.wait_dma2 semaphore(%arg9 : memref<!tpu.dma_semaphore, #tpu.memory_space<semaphore_mem>>) src(%dma_wait3A_1092 : memref<1x224x224xf32, #tpu.memory_space<hbm>>) dst(%dma_wait3A_1089 : memref<1x224x224xf32, #tpu.memory_space<vmem_shared>>)
    %add3A_1093 = arith.constant 20 : i32
    %add3A_1094 = arith.addi %mul3A_2, %add3A_1093 : i32
    %dma_start3A_1095 = arith.constant 0 : i32
    %dma_start3A_1096 = arith.constant 0 : i32
    %dma_start3A_1097 = arith.constant 0 : i32
    %dma_start3A_1098 = tpu.memref_slice %arg4[%add3A_1094, %dma_start3A_1096, %dma_start3A_1097] : memref<768x224x224xf32, #tpu.memory_space<hbm>> -> memref<1x224x224xf32, #tpu.memory_space<hbm>>
    %dma_start3A_1099 = arith.constant 0 : i32
    %dma_start3A_1100 = arith.constant 0 : i32
    %dma_start3A_1101 = arith.constant 0 : i32
    %dma_start3A_1102 = tpu.memref_slice %arg8[%arg1, %dma_start3A_1095, %dma_start3A_1099, %dma_start3A_1100, %dma_start3A_1101] : memref<16x2x1x224x224xf32, #tpu.memory_space<vmem_shared>> -> memref<1x1x1x224x224xf32, #tpu.memory_space<vmem_shared>>
    %dma_start3A_1103 = tpu.memref_squeeze %dma_start3A_1102 : memref<1x1x1x224x224xf32, #tpu.memory_space<vmem_shared>> -> memref<1x224x224xf32, #tpu.memory_space<vmem_shared>>
    tpu.enqueue_dma source(%dma_start3A_1103 : memref<1x224x224xf32, #tpu.memory_space<vmem_shared>>) target(%dma_start3A_1098 : memref<1x224x224xf32, #tpu.memory_space<hbm>>) target_semaphore(%arg11 : memref<!tpu.dma_semaphore, #tpu.memory_space<semaphore_mem>>)
    %dma_wait3A_1104 = arith.constant 0 : i32
    %dma_wait3A_1105 = arith.constant 0 : i32
    %dma_wait3A_1106 = arith.constant 0 : i32
    %dma_wait3A_1107 = tpu.memref_slice %arg4[%add3A_1094, %dma_wait3A_1105, %dma_wait3A_1106] : memref<768x224x224xf32, #tpu.memory_space<hbm>> -> memref<1x224x224xf32, #tpu.memory_space<hbm>>
    %dma_wait3A_1108 = arith.constant 0 : i32
    %dma_wait3A_1109 = arith.constant 0 : i32
    %dma_wait3A_1110 = arith.constant 0 : i32
    %dma_wait3A_1111 = tpu.memref_slice %arg8[%arg1, %dma_wait3A_1104, %dma_wait3A_1108, %dma_wait3A_1109, %dma_wait3A_1110] : memref<16x2x1x224x224xf32, #tpu.memory_space<vmem_shared>> -> memref<1x1x1x224x224xf32, #tpu.memory_space<vmem_shared>>
    %dma_wait3A_1112 = tpu.memref_squeeze %dma_wait3A_1111 : memref<1x1x1x224x224xf32, #tpu.memory_space<vmem_shared>> -> memref<1x224x224xf32, #tpu.memory_space<vmem_shared>>
    tpu.wait_dma2 semaphore(%arg11 : memref<!tpu.dma_semaphore, #tpu.memory_space<semaphore_mem>>) src(%dma_wait3A_1112 : memref<1x224x224xf32, #tpu.memory_space<vmem_shared>>) dst(%dma_wait3A_1107 : memref<1x224x224xf32, #tpu.memory_space<hbm>>)
    %get3A_1113 = arith.constant 176 : index
    %get3A_1114 = tpu.vector_load %arg7[%get3A_1113] {strides = array<i32>} : memref<256xi32, #tpu.memory_space<vmem>>, vector<16xi32>,
    %slice3A_1115 = vector.extract_strided_slice %get3A_1114 {offsets = [0], sizes = [1], strides = [1]} : vector<16xi32> to vector<1xi32>
    %squeeze3A_1116 = vector.extract %slice3A_1115[0] : i32 from vector<1xi32>
    %dma_start3A_1117 = arith.constant 0 : i32
    %dma_start3A_1118 = arith.constant 0 : i32
    %dma_start3A_1119 = arith.constant 0 : i32
    %dma_start3A_1120 = arith.constant 0 : i32
    %dma_start3A_1121 = tpu.memref_slice %arg8[%arg1, %dma_start3A_1117, %dma_start3A_1118, %dma_start3A_1119, %dma_start3A_1120] : memref<16x2x1x224x224xf32, #tpu.memory_space<vmem_shared>> -> memref<1x1x1x224x224xf32, #tpu.memory_space<vmem_shared>>
    %dma_start3A_1122 = tpu.memref_squeeze %dma_start3A_1121 : memref<1x1x1x224x224xf32, #tpu.memory_space<vmem_shared>> -> memref<1x224x224xf32, #tpu.memory_space<vmem_shared>>
    %dma_start3A_1123 = arith.constant 0 : i32
    %dma_start3A_1124 = arith.constant 0 : i32
    %dma_start3A_1125 = tpu.memref_slice %arg2[%squeeze3A_1116, %dma_start3A_1123, %dma_start3A_1124] : memref<768x224x224xf32, #tpu.memory_space<hbm>> -> memref<1x224x224xf32, #tpu.memory_space<hbm>>
    tpu.enqueue_dma source(%dma_start3A_1125 : memref<1x224x224xf32, #tpu.memory_space<hbm>>) target(%dma_start3A_1122 : memref<1x224x224xf32, #tpu.memory_space<vmem_shared>>) target_semaphore(%arg9 : memref<!tpu.dma_semaphore, #tpu.memory_space<semaphore_mem>>)
    %dma_wait3A_1126 = arith.constant 1 : i32
    %dma_wait3A_1127 = arith.constant 0 : i32
    %dma_wait3A_1128 = arith.constant 0 : i32
    %dma_wait3A_1129 = arith.constant 0 : i32
    %dma_wait3A_1130 = tpu.memref_slice %arg8[%arg1, %dma_wait3A_1126, %dma_wait3A_1127, %dma_wait3A_1128, %dma_wait3A_1129] : memref<16x2x1x224x224xf32, #tpu.memory_space<vmem_shared>> -> memref<1x1x1x224x224xf32, #tpu.memory_space<vmem_shared>>
    %dma_wait3A_1131 = tpu.memref_squeeze %dma_wait3A_1130 : memref<1x1x1x224x224xf32, #tpu.memory_space<vmem_shared>> -> memref<1x224x224xf32, #tpu.memory_space<vmem_shared>>
    %dma_wait3A_1132 = arith.constant 0 : i32
    %dma_wait3A_1133 = arith.constant 0 : i32
    %dma_wait3A_1134 = tpu.memref_slice %arg2[%squeeze3A_1074, %dma_wait3A_1132, %dma_wait3A_1133] : memref<768x224x224xf32, #tpu.memory_space<hbm>> -> memref<1x224x224xf32, #tpu.memory_space<hbm>>
    tpu.wait_dma2 semaphore(%arg10 : memref<!tpu.dma_semaphore, #tpu.memory_space<semaphore_mem>>) src(%dma_wait3A_1134 : memref<1x224x224xf32, #tpu.memory_space<hbm>>) dst(%dma_wait3A_1131 : memref<1x224x224xf32, #tpu.memory_space<vmem_shared>>)
    %add3A_1135 = arith.constant 21 : i32
    %add3A_1136 = arith.addi %mul3A_2, %add3A_1135 : i32
    %dma_start3A_1137 = arith.constant 1 : i32
    %dma_start3A_1138 = arith.constant 0 : i32
    %dma_start3A_1139 = arith.constant 0 : i32
    %dma_start3A_1140 = tpu.memref_slice %arg4[%add3A_1136, %dma_start3A_1138, %dma_start3A_1139] : memref<768x224x224xf32, #tpu.memory_space<hbm>> -> memref<1x224x224xf32, #tpu.memory_space<hbm>>
    %dma_start3A_1141 = arith.constant 0 : i32
    %dma_start3A_1142 = arith.constant 0 : i32
    %dma_start3A_1143 = arith.constant 0 : i32
    %dma_start3A_1144 = tpu.memref_slice %arg8[%arg1, %dma_start3A_1137, %dma_start3A_1141, %dma_start3A_1142, %dma_start3A_1143] : memref<16x2x1x224x224xf32, #tpu.memory_space<vmem_shared>> -> memref<1x1x1x224x224xf32, #tpu.memory_space<vmem_shared>>
    %dma_start3A_1145 = tpu.memref_squeeze %dma_start3A_1144 : memref<1x1x1x224x224xf32, #tpu.memory_space<vmem_shared>> -> memref<1x224x224xf32, #tpu.memory_space<vmem_shared>>
    tpu.enqueue_dma source(%dma_start3A_1145 : memref<1x224x224xf32, #tpu.memory_space<vmem_shared>>) target(%dma_start3A_1140 : memref<1x224x224xf32, #tpu.memory_space<hbm>>) target_semaphore(%arg12 : memref<!tpu.dma_semaphore, #tpu.memory_space<semaphore_mem>>)
    %dma_wait3A_1146 = arith.constant 1 : i32
    %dma_wait3A_1147 = arith.constant 0 : i32
    %dma_wait3A_1148 = arith.constant 0 : i32
    %dma_wait3A_1149 = tpu.memref_slice %arg4[%add3A_1136, %dma_wait3A_1147, %dma_wait3A_1148] : memref<768x224x224xf32, #tpu.memory_space<hbm>> -> memref<1x224x224xf32, #tpu.memory_space<hbm>>
    %dma_wait3A_1150 = arith.constant 0 : i32
    %dma_wait3A_1151 = arith.constant 0 : i32
    %dma_wait3A_1152 = arith.constant 0 : i32
    %dma_wait3A_1153 = tpu.memref_slice %arg8[%arg1, %dma_wait3A_1146, %dma_wait3A_1150, %dma_wait3A_1151, %dma_wait3A_1152] : memref<16x2x1x224x224xf32, #tpu.memory_space<vmem_shared>> -> memref<1x1x1x224x224xf32, #tpu.memory_space<vmem_shared>>
    %dma_wait3A_1154 = tpu.memref_squeeze %dma_wait3A_1153 : memref<1x1x1x224x224xf32, #tpu.memory_space<vmem_shared>> -> memref<1x224x224xf32, #tpu.memory_space<vmem_shared>>
    tpu.wait_dma2 semaphore(%arg12 : memref<!tpu.dma_semaphore, #tpu.memory_space<semaphore_mem>>) src(%dma_wait3A_1154 : memref<1x224x224xf32, #tpu.memory_space<vmem_shared>>) dst(%dma_wait3A_1149 : memref<1x224x224xf32, #tpu.memory_space<hbm>>)
    %get3A_1155 = arith.constant 184 : index
    %get3A_1156 = tpu.vector_load %arg7[%get3A_1155] {strides = array<i32>} : memref<256xi32, #tpu.memory_space<vmem>>, vector<16xi32>,
    %slice3A_1157 = vector.extract_strided_slice %get3A_1156 {offsets = [0], sizes = [1], strides = [1]} : vector<16xi32> to vector<1xi32>
    %squeeze3A_1158 = vector.extract %slice3A_1157[0] : i32 from vector<1xi32>
    %dma_start3A_1159 = arith.constant 1 : i32
    %dma_start3A_1160 = arith.constant 0 : i32
    %dma_start3A_1161 = arith.constant 0 : i32
    %dma_start3A_1162 = arith.constant 0 : i32
    %dma_start3A_1163 = tpu.memref_slice %arg8[%arg1, %dma_start3A_1159, %dma_start3A_1160, %dma_start3A_1161, %dma_start3A_1162] : memref<16x2x1x224x224xf32, #tpu.memory_space<vmem_shared>> -> memref<1x1x1x224x224xf32, #tpu.memory_space<vmem_shared>>
    %dma_start3A_1164 = tpu.memref_squeeze %dma_start3A_1163 : memref<1x1x1x224x224xf32, #tpu.memory_space<vmem_shared>> -> memref<1x224x224xf32, #tpu.memory_space<vmem_shared>>
    %dma_start3A_1165 = arith.constant 0 : i32
    %dma_start3A_1166 = arith.constant 0 : i32
    %dma_start3A_1167 = tpu.memref_slice %arg2[%squeeze3A_1158, %dma_start3A_1165, %dma_start3A_1166] : memref<768x224x224xf32, #tpu.memory_space<hbm>> -> memref<1x224x224xf32, #tpu.memory_space<hbm>>
    tpu.enqueue_dma source(%dma_start3A_1167 : memref<1x224x224xf32, #tpu.memory_space<hbm>>) target(%dma_start3A_1164 : memref<1x224x224xf32, #tpu.memory_space<vmem_shared>>) target_semaphore(%arg10 : memref<!tpu.dma_semaphore, #tpu.memory_space<semaphore_mem>>)
    %dma_wait3A_1168 = arith.constant 0 : i32
    %dma_wait3A_1169 = arith.constant 0 : i32
    %dma_wait3A_1170 = arith.constant 0 : i32
    %dma_wait3A_1171 = arith.constant 0 : i32
    %dma_wait3A_1172 = tpu.memref_slice %arg8[%arg1, %dma_wait3A_1168, %dma_wait3A_1169, %dma_wait3A_1170, %dma_wait3A_1171] : memref<16x2x1x224x224xf32, #tpu.memory_space<vmem_shared>> -> memref<1x1x1x224x224xf32, #tpu.memory_space<vmem_shared>>
    %dma_wait3A_1173 = tpu.memref_squeeze %dma_wait3A_1172 : memref<1x1x1x224x224xf32, #tpu.memory_space<vmem_shared>> -> memref<1x224x224xf32, #tpu.memory_space<vmem_shared>>
    %dma_wait3A_1174 = arith.constant 0 : i32
    %dma_wait3A_1175 = arith.constant 0 : i32
    %dma_wait3A_1176 = tpu.memref_slice %arg2[%squeeze3A_1116, %dma_wait3A_1174, %dma_wait3A_1175] : memref<768x224x224xf32, #tpu.memory_space<hbm>> -> memref<1x224x224xf32, #tpu.memory_space<hbm>>
    tpu.wait_dma2 semaphore(%arg9 : memref<!tpu.dma_semaphore, #tpu.memory_space<semaphore_mem>>) src(%dma_wait3A_1176 : memref<1x224x224xf32, #tpu.memory_space<hbm>>) dst(%dma_wait3A_1173 : memref<1x224x224xf32, #tpu.memory_space<vmem_shared>>)
    %add3A_1177 = arith.constant 22 : i32
    %add3A_1178 = arith.addi %mul3A_2, %add3A_1177 : i32
    %dma_start3A_1179 = arith.constant 0 : i32
    %dma_start3A_1180 = arith.constant 0 : i32
    %dma_start3A_1181 = arith.constant 0 : i32
    %dma_start3A_1182 = tpu.memref_slice %arg4[%add3A_1178, %dma_start3A_1180, %dma_start3A_1181] : memref<768x224x224xf32, #tpu.memory_space<hbm>> -> memref<1x224x224xf32, #tpu.memory_space<hbm>>
    %dma_start3A_1183 = arith.constant 0 : i32
    %dma_start3A_1184 = arith.constant 0 : i32
    %dma_start3A_1185 = arith.constant 0 : i32
    %dma_start3A_1186 = tpu.memref_slice %arg8[%arg1, %dma_start3A_1179, %dma_start3A_1183, %dma_start3A_1184, %dma_start3A_1185] : memref<16x2x1x224x224xf32, #tpu.memory_space<vmem_shared>> -> memref<1x1x1x224x224xf32, #tpu.memory_space<vmem_shared>>
    %dma_start3A_1187 = tpu.memref_squeeze %dma_start3A_1186 : memref<1x1x1x224x224xf32, #tpu.memory_space<vmem_shared>> -> memref<1x224x224xf32, #tpu.memory_space<vmem_shared>>
    tpu.enqueue_dma source(%dma_start3A_1187 : memref<1x224x224xf32, #tpu.memory_space<vmem_shared>>) target(%dma_start3A_1182 : memref<1x224x224xf32, #tpu.memory_space<hbm>>) target_semaphore(%arg11 : memref<!tpu.dma_semaphore, #tpu.memory_space<semaphore_mem>>)
    %dma_wait3A_1188 = arith.constant 1 : i32
    %dma_wait3A_1189 = arith.constant 0 : i32
    %dma_wait3A_1190 = arith.constant 0 : i32
    %dma_wait3A_1191 = arith.constant 0 : i32
    %dma_wait3A_1192 = tpu.memref_slice %arg8[%arg1, %dma_wait3A_1188, %dma_wait3A_1189, %dma_wait3A_1190, %dma_wait3A_1191] : memref<16x2x1x224x224xf32, #tpu.memory_space<vmem_shared>> -> memref<1x1x1x224x224xf32, #tpu.memory_space<vmem_shared>>
    %dma_wait3A_1193 = tpu.memref_squeeze %dma_wait3A_1192 : memref<1x1x1x224x224xf32, #tpu.memory_space<vmem_shared>> -> memref<1x224x224xf32, #tpu.memory_space<vmem_shared>>
    %dma_wait3A_1194 = arith.constant 0 : i32
    %dma_wait3A_1195 = arith.constant 0 : i32
    %dma_wait3A_1196 = tpu.memref_slice %arg2[%squeeze3A_1158, %dma_wait3A_1194, %dma_wait3A_1195] : memref<768x224x224xf32, #tpu.memory_space<hbm>> -> memref<1x224x224xf32, #tpu.memory_space<hbm>>
    tpu.wait_dma2 semaphore(%arg10 : memref<!tpu.dma_semaphore, #tpu.memory_space<semaphore_mem>>) src(%dma_wait3A_1196 : memref<1x224x224xf32, #tpu.memory_space<hbm>>) dst(%dma_wait3A_1193 : memref<1x224x224xf32, #tpu.memory_space<vmem_shared>>)
    %add3A_1197 = arith.constant 23 : i32
    %add3A_1198 = arith.addi %mul3A_2, %add3A_1197 : i32
    %dma_start3A_1199 = arith.constant 1 : i32
    %dma_start3A_1200 = arith.constant 0 : i32
    %dma_start3A_1201 = arith.constant 0 : i32
    %dma_start3A_1202 = tpu.memref_slice %arg4[%add3A_1198, %dma_start3A_1200, %dma_start3A_1201] : memref<768x224x224xf32, #tpu.memory_space<hbm>> -> memref<1x224x224xf32, #tpu.memory_space<hbm>>
    %dma_start3A_1203 = arith.constant 0 : i32
    %dma_start3A_1204 = arith.constant 0 : i32
    %dma_start3A_1205 = arith.constant 0 : i32
    %dma_start3A_1206 = tpu.memref_slice %arg8[%arg1, %dma_start3A_1199, %dma_start3A_1203, %dma_start3A_1204, %dma_start3A_1205] : memref<16x2x1x224x224xf32, #tpu.memory_space<vmem_shared>> -> memref<1x1x1x224x224xf32, #tpu.memory_space<vmem_shared>>
    %dma_start3A_1207 = tpu.memref_squeeze %dma_start3A_1206 : memref<1x1x1x224x224xf32, #tpu.memory_space<vmem_shared>> -> memref<1x224x224xf32, #tpu.memory_space<vmem_shared>>
    tpu.enqueue_dma source(%dma_start3A_1207 : memref<1x224x224xf32, #tpu.memory_space<vmem_shared>>) target(%dma_start3A_1202 : memref<1x224x224xf32, #tpu.memory_space<hbm>>) target_semaphore(%arg12 : memref<!tpu.dma_semaphore, #tpu.memory_space<semaphore_mem>>)
    %dma_wait3A_1208 = arith.constant 0 : i32
    %dma_wait3A_1209 = arith.constant 0 : i32
    %dma_wait3A_1210 = arith.constant 0 : i32
    %dma_wait3A_1211 = tpu.memref_slice %arg4[%add3A_1178, %dma_wait3A_1209, %dma_wait3A_1210] : memref<768x224x224xf32, #tpu.memory_space<hbm>> -> memref<1x224x224xf32, #tpu.memory_space<hbm>>
    %dma_wait3A_1212 = arith.constant 0 : i32
    %dma_wait3A_1213 = arith.constant 0 : i32
    %dma_wait3A_1214 = arith.constant 0 : i32
    %dma_wait3A_1215 = tpu.memref_slice %arg8[%arg1, %dma_wait3A_1208, %dma_wait3A_1212, %dma_wait3A_1213, %dma_wait3A_1214] : memref<16x2x1x224x224xf32, #tpu.memory_space<vmem_shared>> -> memref<1x1x1x224x224xf32, #tpu.memory_space<vmem_shared>>
    %dma_wait3A_1216 = tpu.memref_squeeze %dma_wait3A_1215 : memref<1x1x1x224x224xf32, #tpu.memory_space<vmem_shared>> -> memref<1x224x224xf32, #tpu.memory_space<vmem_shared>>
    tpu.wait_dma2 semaphore(%arg11 : memref<!tpu.dma_semaphore, #tpu.memory_space<semaphore_mem>>) src(%dma_wait3A_1216 : memref<1x224x224xf32, #tpu.memory_space<vmem_shared>>) dst(%dma_wait3A_1211 : memref<1x224x224xf32, #tpu.memory_space<hbm>>)
    %dma_wait3A_1217 = arith.constant 1 : i32
    %dma_wait3A_1218 = arith.constant 0 : i32
    %dma_wait3A_1219 = arith.constant 0 : i32
    %dma_wait3A_1220 = tpu.memref_slice %arg4[%add3A_1198, %dma_wait3A_1218, %dma_wait3A_1219] : memref<768x224x224xf32, #tpu.memory_space<hbm>> -> memref<1x224x224xf32, #tpu.memory_space<hbm>>
    %dma_wait3A_1221 = arith.constant 0 : i32
    %dma_wait3A_1222 = arith.constant 0 : i32
    %dma_wait3A_1223 = arith.constant 0 : i32
    %dma_wait3A_1224 = tpu.memref_slice %arg8[%arg1, %dma_wait3A_1217, %dma_wait3A_1221, %dma_wait3A_1222, %dma_wait3A_1223] : memref<16x2x1x224x224xf32, #tpu.memory_space<vmem_shared>> -> memref<1x1x1x224x224xf32, #tpu.memory_space<vmem_shared>>
    %dma_wait3A_1225 = tpu.memref_squeeze %dma_wait3A_1224 : memref<1x1x1x224x224xf32, #tpu.memory_space<vmem_shared>> -> memref<1x224x224xf32, #tpu.memory_space<vmem_shared>>
    tpu.wait_dma2 semaphore(%arg12 : memref<!tpu.dma_semaphore, #tpu.memory_space<semaphore_mem>>) src(%dma_wait3A_1225 : memref<1x224x224xf32, #tpu.memory_space<vmem_shared>>) dst(%dma_wait3A_1220 : memref<1x224x224xf32, #tpu.memory_space<hbm>>)
    return
  }
}

</mosaic_0001>

<sc_bundles>
// kernel: kernel.3.cloned.1.call-start
scs
__scs_entry_jumppad:
0x0: {  	(pc) =	sbr.rel $0x88, $3  }
0x1: {  	(tag) =	ssettag $0x0;
	lr =	simm.s32 $0x1  }
0x2: {  	[smem:$0x3F9F] =	sst lr;
	_ =	strace $0xD0000000  }
0x3: {  	_ = 	snop  }
0x4: {  	_ = 	snop  }
0x5: {  	_ = 	snop  }
0x6: {  	_ = 	snop  }
0x7: {  	_ = 	snop  }
__scs_overlays_trampoline_lowered:
0x8: {  	[smem:$0x3FAE] =	sst s0  }
0x9: {  	[smem:$0x3FAF] =	sst s1  }
0xa: {  	[smem:$0x3FB0] =	sst s2  }
0xb: {  	[smem:$0x3FB1] =	sst s3  }
0xc: {  	[smem:$0x3FB2] =	sst s4  }
0xd: {  	[smem:$0x3FB3] =	sst s5  }
0xe: {  	[smem:$0x3FB4] =	sst s6  }
0xf: {  	[smem:$0x3FB5] =	sst s7  }
0x10: {  	[smem:$0x3FB6] =	sst s8  }
0x11: {  	[smem:$0x3FB7] =	sst s9;
	s0 =	simm.s32 @!p0 $0x0  }
0x12: {  	s1 =	sld [smem:$0x3F9D];
	s0 =	simm.s32 @p0 $0x1  }
0x13: {  	[smem:$0x3FB8] =	sst s0;
	s0 =	simm.s32 @!p1 $0x0  }
0x14: {  	s2 =	sld [smem:$0x3F9C];
	s0 =	simm.s32 @p1 $0x1  }
0x15: {  	[smem:$0x3FB9] =	sst s0;
	s0 =	simm.s32 @!p2 $0x0  }
0x16: {  	s3 =	sld [smem:$0x3FDB];
	s0 =	simm.s32 @p2 $0x1  }
0x17: {  	s4 =	simm.s32 $0x1BF5;
	[smem:$0x3FBB] =	sst s0  }
0x18: {  	s0 =	sld [smem:$0x3F9E];
	_ =	swait.ge [sflag:s4], $0x0  }
0x19: {  	s7 =	sld [smem:$0x3F9F]  }
0x1a: {  	s8 =	sadd.s32 $0xFFFFE003, lr  }
0x1b: {  	s9 =	sadd.s32 $0xFFFFFEF7, lr;
	s5 =	simm.s32 $0xFFFFFFFF;
	p2 =	slt.u32 s8, $0xFFFFF086  }
0x1c: {  	p1 =	slt.u32 s9, $0xF7A;
	s5 =	simm.s32 @!p2 $0x0  }
0x1d: {  	s5 =	simm.s32 @p1 $0x1;
	p0 =	seq.s32 s7, s2  }
0x1e: {  	s7 =	smul.u32 @!p0 $0xF7A, s2;
	p2 =	seq.s32 @!p0 s5, $0x0  }
0x1f: {  	s9 =	smul.u32 $0xF7A, s1;
	s8 =	simm.s32 @!p0 $0x1BF5;
	p2 =	por !p2, p0  }
0x20: {  	[sflag:s8] =	ssyncset.s32 @!p0 $0xFFFFF086;
	s6 =	sadd.s32 @!p0 s3, s7;
	s7 =	simm.s32 @!p0 $0x108  }
0x21: {  	s3 =	sadd.s32 s3, s9;
	s6 =	sadd.s32 @!p0 $0x88, s6;
	s7 =	simm.s32 @p2 $0x1082  }
0x22: {  	[simem:s7], [sflag:s8] =	dma.local @!p0 [hbm:s6], $0xF7A  }
0x23: {  	s9 =	sor.u32 $0xD0000000, s2;
	s6 =	simm.s32 $0x108;
	_ =	swait.ge @!p0 [sflag:s8], $0x0  }
0x24: {  	s3 =	sadd.s32 $0x88, s3;
	s6 =	simm.s32 @!p1 $0x1082;
	[sflag:s4] =	ssyncset.s32 $0xFFFFF086  }
0x25: {  	[simem:s6], [sflag:s4] =	dma.local [hbm:s3], $0xF7A  }
0x26: {  	[smem:$0x3F9F] =	sst s1;
	(tag) =	ssettag s2;
	_ =	strace s9  }
0x27: {  	s1 =	sld [smem:$0x3FAF]  }
0x28: {  	s2 =	sld [smem:$0x3FB0]  }
0x29: {  	s4 =	sld [smem:$0x3FB2]  }
0x2a: {  	p0 =	seq.s32 s5, $0x0;
	s5 =	sld [smem:$0x3FB3]  }
0x2b: {  	s6 =	sld [smem:$0x3FB4]  }
0x2c: {  	s7 =	sld [smem:$0x3FB5]  }
0x2d: {  	s3 =	simm.s32 $0x108;
	s8 =	sld [smem:$0x3FB6]  }
0x2e: {  	s3 =	simm.s32 @!p0 $0x1082;
	s9 =	sld [smem:$0x3FB7]  }
0x2f: {  	lr =	sadd.s32 s0, s3;
	s0 =	sld [smem:$0x3FAE]  }
0x30: {  	s3 =	sld [smem:$0x3FB1]  }
0x31: {  	[smem:$0x3FBA] =	sst s10  }
0x32: {  	s10 =	sld [smem:$0x3FB8];
	_ =	sdelay $0x3  }
0x33: {  	p0 =	seq.s32 s10, $0x1;
	s10 =	sld [smem:$0x3FBA];
	_ =	sdelay $0x3  }
0x34: {  	[smem:$0x3FBA] =	sst s10  }
0x35: {  	s10 =	sld [smem:$0x3FB9];
	_ =	sdelay $0x3  }
0x36: {  	p1 =	seq.s32 s10, $0x1;
	s10 =	sld [smem:$0x3FBA];
	_ =	sdelay $0x3  }
0x37: {  	[smem:$0x3FBA] =	sst s10  }
0x38: {  	s10 =	sld [smem:$0x3FBB]  }
0x39: {  	_ = 	snop;
	(pc) =	sbr.ind lr, $3  }
0x3a: {  	_ = 	snop  }
0x3b: {  	_ = 	snop  }
0x3c: {  	p2 =	seq.s32 s10, $0x1;
	s10 =	sld [smem:$0x3FBA]  }
0x3d: {  	_ =	shalt  }
0x3e: {  	_ =	shalt  }
0x3f: {  	_ =	shalt  }
0x40: {  	_ =	shalt  }
0x41: {  	_ =	shalt  }
0x42: {  	_ =	shalt  }
0x43: {  	_ =	shalt  }
0x44: {  	_ =	shalt  }
0x45: {  	_ =	shalt  }
0x46: {  	_ =	shalt  }
0x47: {  	_ =	shalt  }
0x48: {  	_ =	shalt  }
0x49: {  	_ =	shalt  }
0x4a: {  	_ =	shalt  }
0x4b: {  	_ =	shalt  }
0x4c: {  	_ =	shalt  }
0x4d: {  	_ =	shalt  }
0x4e: {  	_ =	shalt  }
0x4f: {  	_ =	shalt  }
0x50: {  	_ =	shalt  }
0x51: {  	_ =	shalt  }
0x52: {  	_ =	shalt  }
0x53: {  	_ =	shalt  }
0x54: {  	_ =	shalt  }
0x55: {  	_ =	shalt  }
0x56: {  	_ =	shalt  }
0x57: {  	_ =	shalt  }
0x58: {  	_ =	shalt  }
0x59: {  	_ =	shalt  }
0x5a: {  	_ =	shalt  }
0x5b: {  	_ =	shalt  }
0x5c: {  	_ =	shalt  }
0x5d: {  	_ =	shalt  }
0x5e: {  	_ =	shalt  }
0x5f: {  	_ =	shalt  }
0x60: {  	_ =	shalt  }
0x61: {  	_ =	shalt  }
0x62: {  	_ =	shalt  }
0x63: {  	_ =	shalt  }
0x64: {  	_ =	shalt  }
0x65: {  	_ =	shalt  }
0x66: {  	_ =	shalt  }
0x67: {  	_ =	shalt  }
0x68: {  	_ =	shalt  }
0x69: {  	_ =	shalt  }
0x6a: {  	_ =	shalt  }
0x6b: {  	_ =	shalt  }
0x6c: {  	_ =	shalt  }
0x6d: {  	_ =	shalt  }
0x6e: {  	_ =	shalt  }
0x6f: {  	_ =	shalt  }
0x70: {  	_ =	shalt  }
0x71: {  	_ =	shalt  }
0x72: {  	_ =	shalt  }
0x73: {  	_ =	shalt  }
0x74: {  	_ =	shalt  }
0x75: {  	_ =	shalt  }
0x76: {  	_ =	shalt  }
0x77: {  	_ =	shalt  }
0x78: {  	_ =	shalt  }
0x79: {  	_ =	shalt  }
0x7a: {  	_ =	shalt  }
0x7b: {  	_ =	shalt  }
0x7c: {  	_ =	shalt  }
0x7d: {  	_ =	shalt  }
0x7e: {  	_ =	shalt  }
0x7f: {  	_ =	shalt  }
0x80: {  	_ =	shalt  }
0x81: {  	_ =	shalt  }
0x82: {  	_ =	shalt  }
0x83: {  	_ =	shalt  }
0x84: {  	_ =	shalt  }
0x85: {  	_ =	shalt  }
0x86: {  	_ =	shalt  }
0x87: {  	_ =	shalt  }
.Lfunc_end0:
.L_simem_size_0:
called_computation_lowered:
.L_overlay_start_0:
0x88: {  	s2 =	sld [smem:$0x3FD9]  }
0x89: {  	s3 =	sld [smem:$0x3FFE];
	_ =	sdelay $0x1  }
0x8a: {  	s1 =	srdreg.scid  }
0x8b: {  	s0 =	sand.u32 $0x1, s1  }
0x8c: {  	s18 =	sshll.u32 s0, $0xA;
	s2 =	sadd.s32 s3, s2  }
0x8d: {  	s2 =	sadd.s32 s2, s18  }
0x8e: {  	[smem:$0x3FC6] =	sst s2  }
0x8f: {  	_ = 	snop  }
0x90: {  	s2 =	sld [smem:$0x3FC9]  }
0x91: {  	s19 =	sld [smem:$0x3FC8]  }
0x92: {  	s4 =	sld [smem:$0x3FD0];
	(tm) =	ssettm $0x1  }
0x93: {  	s5 =	sld [smem:$0x3FFB];
	_ =	sdelay $0x3  }
0x94: {  	_ =	strace s5  }
0x95: {  	s5 =	sld [smem:$0x3FFC];
	_ =	sdelay $0x3  }
0x96: {  	_ =	strace s5  }
0x97: {  	s5 =	sld [smem:$0x3FFD];
	_ =	sdelay $0x3  }
0x98: {  	_ =	strace s5  }
0x99: {  	_ =	strace $0x8FFFFFFF  }
0x9a: {  	s20 =	sld [smem:$0x3FDB];
	_ =	sdelay $0x1  }
0x9b: {  	s6 =	simm.s32 $_scs_section_size  }
0x9c: {  	s7 =	simm.s32 $_size__tile_overlayer_lowered;
	s8 =	simm.s32 $_tile_overlayer_lowered  }
0x9d: {  	s23 =	simm.s32 $0x1BFF;
	s22 =	sshll.u32 s8, $0x1;
	s5 =	sadd.s32 s6, s20  }
0x9e: {  	s9 =	simm.s32 $0x0;
	s21 =	sshll.u32 s7, $0x1;
	s7 =	sadd.s32 s22, s5  }
0x9f: {  	[timem:s9], [sflag:s23] =	dma.local [hbm:s7], s21  }
0xa0: {  	_ =	swait.ge [sflag:s23], s21  }
0xa1: {  	s6 =	ssub.s32 $0x0, s21;
	[sflag:s23] =	ssyncset.done $0x0  }
0xa2: {  	[sflag:s23] =	ssyncadd.s32 s6;
	_ =	sdelay $0x1  }
0xa3: {  	s24 =	simm.s32 $0x1B8B  }
0xa4: {  	_ =	swait.ge [sflag:s24], $0x1  }
0xa5: {  	[sflag:s24] =	ssyncset.done $0x0  }
0xa6: {  	s25 =	simm.s32 $0x1B8E;
	[sflag:s24] =	ssyncadd.s32 $0xFFFFFFFF  }
0xa7: {  	s26 =	simm.s32 $execute0_lowered;
	[smem:$0x3FD2] =	sst s25  }
0xa8: {  	s6 =	sshll.u32 s26, $0x1;
	_ =	strace $0x80000046;
	[dreg:$0x1] =	wrdreg $0xFFFFFFFF  }
0xa9: {  	s28 =	simm.s32 $_size_execute0_lowered;
	s5 =	sadd.s32 s5, s6;
	[dreg:$0x0] =	wrdreg $0x0  }
0xaa: {  	s6 =	sshll.u32 s28, $0x1;
	[dreg:$0x2] =	wrdreg s5  }
0xab: {  	[dreg:$0x3] =	wrdreg s6  }
0xac: {  	[dreg:$0x4] =	wrdreg $0xC0  }
0xad: {  	_ =	task [dreg:s9], $0x5FFFF  }
0xae: {  	[dreg:$0x1] =	wrdreg $0xFFFFFFFF  }
0xaf: {  	[dreg:$0x0] =	wrdreg $0x60  }
0xb0: {  	[dreg:$0x2] =	wrdreg s2  }
0xb1: {  	[dreg:$0x3] =	wrdreg s19  }
0xb2: {  	[dreg:$0x4] =	wrdreg s4  }
0xb3: {  	[dreg:$0x5] =	wrdreg $0x2000  }
0xb4: {  	[dreg:$0x6] =	wrdreg $0x9  }
0xb5: {  	_ =	task.clear_ibuf [dreg:s9], $0x7FFFF;
	_ =	strace $0x90000046  }
0xb6: {  	s29 =	simm.s32 $0x9;
	_ =	strace $0x80000048  }
0xb7: {  	_ =	swait.ge [sflag:s29], $0x1  }
0xb8: {  	[sflag:s29] =	ssyncadd.s32 $0xFFFFFFFF  }
0xb9: {  	_ =	strace $0x90000048  }
0xba: {  	_ =	sfence  }
0xbb: {  	s30 =	sld [smem:$0x0];
	_ =	sdelay $0x2  }
0xbc: {  	s31 =	sshll.u32 s1, $0xD;
	s1 =	sshrl.u32 s1, $0x2  }
0xbd: {  	s3 =	sand.u32 $0x4000, s31;
	s1 =	sadd.s32 s1, s30  }
0xbe: {  	s0 =	sor.u32 s3, s0;
	s1 =	sshll.u32 s1, $0x11  }
0xbf: {  	s0 =	sor.u32 s1, s0  }
0xc0: {  	s0 =	sadd.s32 $0x8F2B, s0  }
0xc1: {  	[sflag:s0] =	ssyncadd.remote.s32 $0x1  }
0xc2: {  	_ =	sfence.sel $0xFFFF  }
0xc3: {  	[dreg:$0x0] =	wrdreg $0xFFFFFFFF;
	(pc) =	sbr.abs _section_cstart, $3  }
0xc4: {  	[dreg:$0x1] =	wrdreg $0xFFFFFFFF  }
0xc5: {  	_ =	task.clear_ibuf [dreg:s9], $0x2FFFF;
	_ =	strace $0x9FFFFFFF  }
0xc6: {  	(tm) =	ssettm $0x7FFFFFFF  }
0xc7: {  	_ =	shalt  }
tec
execute0_lowered:
.L_overlay_start_1:
0x0: {  	(tag) =	ssettag $0x1  }
0x1: {  	s1 =	rddreg [dreg:$0x0]  }
0x2: {  	s2 =	srdreg.scid;
	s0 =	stileid.u32  }
0x3: {  	s3 =	rddreg [dreg:$0x1];
	s5 =	sand.u32 $0x1, s2;
	s9 =	sshll.u32 s0, $0x1  }
0x4: {  	s7 =	rddreg [dreg:$0x2];
	s6 =	sor.u32 s5, s9  }
0x5: {  	s8 =	rddreg [dreg:$0x3];
	s4 =	smul.u32 $0x2A000, s6  }
0x6: {  	[dreg:$0x5] =	wrdreg s3;
	s9 =	smul.u32 $0x150000, s6  }
0x7: {  	s2 =	rddreg [dreg:$0x4]  }
0x8: {  	s3 =	simm.s32 $0x0;
	s4 =	sadd.s32 s7, s4;
	s9 =	sshrl.u32 s9, $0x3  }
0x9: {  	[smem:$0x7FF] =	sst s3;
	s10 =	sadd.s32 $0x1C00, s4;
	s7 =	sadd.s32 s7, s9  }
0xa: {  	_ =	strace $0x80000047;
	[dreg:$0x6] =	wrdreg s10;
	s9 =	sadd.s32 $0x3800, s7  }
0xb: {  	s10 =	sadd.s32 $0x5400, s7;
	[dreg:$0x7] =	wrdreg s9  }
0xc: {  	s11 =	sadd.s32 $0x7000, s7;
	[dreg:$0x8] =	wrdreg s10  }
0xd: {  	s12 =	sadd.s32 $0x8C00, s7;
	[dreg:$0x9] =	wrdreg s11  }
0xe: {  	s13 =	sadd.s32 $0xA800, s7;
	[dreg:$0xa] =	wrdreg s12  }
0xf: {  	s14 =	sadd.s32 $0xC400, s7;
	[dreg:$0xb] =	wrdreg s13  }
0x10: {  	s15 =	sadd.s32 $0xE000, s7;
	[dreg:$0xc] =	wrdreg s14  }
0x11: {  	s16 =	sadd.s32 $0xFC00, s7;
	[dreg:$0xd] =	wrdreg s15  }
0x12: {  	s17 =	sadd.s32 $0x11800, s7;
	[dreg:$0xe] =	wrdreg s16  }
0x13: {  	s18 =	sadd.s32 $0x13400, s7;
	[dreg:$0xf] =	wrdreg s17  }
0x14: {  	s19 =	sadd.s32 $0x15000, s7;
	[dreg:$0x10] =	wrdreg s18  }
0x15: {  	s20 =	sadd.s32 $0x16C00, s7;
	[dreg:$0x11] =	wrdreg s19  }
0x16: {  	s21 =	sadd.s32 $0x18800, s7;
	[dreg:$0x12] =	wrdreg s20  }
0x17: {  	s23 =	sadd.s32 $0x1A400, s7;
	[dreg:$0x13] =	wrdreg s21  }
0x18: {  	s24 =	sadd.s32 $0x1C000, s7;
	[dreg:$0x14] =	wrdreg s23  }
0x19: {  	s26 =	sshrl.u32 s0, $0x1;
	s25 =	sadd.s32 $0x1DC00, s7;
	[dreg:$0x15] =	wrdreg s24  }
0x1a: {  	s5 =	ssub.s32 $0x2, s5;
	s28 =	sadd.s32 $0x1F800, s7;
	[dreg:$0x16] =	wrdreg s25  }
0x1b: {  	s22 =	sshrl.u32 s5, $0x1;
	s29 =	sadd.s32 $0x21400, s7;
	[dreg:$0x17] =	wrdreg s28  }
0x1c: {  	s6 =	smul.u32 $0x18, s6;
	s30 =	sadd.s32 $0x23000, s7;
	[dreg:$0x18] =	wrdreg s29  }
0x1d: {  	s31 =	sadd.s32 $0x24C00, s7;
	s10 =	ssub.s32 s5, s22;
	[dreg:$0x19] =	wrdreg s30  }
0x1e: {  	s9 =	smul.u32 $0x60, s26;
	[dreg:$0x1a] =	wrdreg s31;
	s12 =	sadd.s32 $0x26800, s7  }
0x1f: {  	s11 =	smul.u32 $0x70000, s0;
	s7 =	sadd.s32 $0x28400, s7;
	[dreg:$0x1b] =	wrdreg s12  }
0x20: {  	v0 =	vlaneseq.u32;
	s13 =	simm.s32 $0x2;
	s14 =	simm.s32 $0x4;
	[dreg:$0x1c] =	wrdreg s7  }
0x21: {  	v4 =	vimm.s32 $0x0;
	v5 =	vmul.u32 $0x8, v0;
	s7 =	simm.s32 $0x5;
	s12 =	simm.s32 $0x3;
	s11 =	sshrl.u32 s11, $0x2  }
0x22: {  	v6 =	vor.u32 $0x10, v0;
	v7 =	vor.u32 $0x20, v0;
	s6 =	ssub.s32 s6, s9;
	v2 =	vmov s9;
	s9 =	simm.s32 $0x100;
	s5 =	sadd.s32 s11, s8  }
0x23: {  	v8 =	vor.u32 $0x30, v0;
	v9 =	vor.u32 $0x40, v0;
	v1 =	vadd.s32 s6, v0;
	s6 =	sadd.s32 $0x10, s6;
	s8 =	simm.s32 $0x80;
	s11 =	sadd.s32 $0xE000, s5  }
0x24: {  	v10 =	vor.u32 $0x50, v0;
	v11 =	vor.u32 $0x80, v5;
	v3 =	vadd.s32 s6, v0;
	s6 =	smax.u32 s10, $0x1;
	s10 =	sshrl.u32 s11, $0x3;
	s11 =	simm.s32 $0x1  }
.LBB2_1:
0x25: {  	s15 =	rddreg [dreg:$0x5]  }
0x26: {  	[tilespmem:s3], [sflag:$0x5] =	stream.linear.gather [hbm4b:s15+s3], $0x80, $0x38;
	[tilespmem:$0x18A00] =	vst v63  }
0x27: {  	_ =	swait.ge [sflag:s7], $0x80  }
0x28: {  	[sflag:s7] =	ssyncset.done $0x0  }
0x29: {  	[sflag:s7] =	ssyncadd.s32 $0xFFFFFF80  }
0x2a: {  	v12 =	vld [tilespmem:$0x0];
	_ =	sdelay $0x4  }
0x2b: {  	vm0 =	vlt.f32 v12, $0.0e+00;
	vm1 =	vgt.f32 v12, $0.0e+00  }
0x2c: {  	vm0 =	vmor vm1, vm0  }
0x2d: {  	v26 =	vsel vm0, $0x1, v4  }
0x2e: {  	(xrf0) =	vadd.scan.msk.s32 $0xffff, v26;
	_ =	sdelay $0x4  }
0x2f: {  	[tilespmem:$0x80] =	vst v4  }
0x30: {  	[tilespmem:$0x90] =	vst v4;
	v12, _, _ =	vpop (xrf0)  }
0x31: {  	[tilespmem:$0xA0] =	vst v4;
	v13 =	vadd.s32 $0xFFFFFFFF, v12  }
0x32: {  	[tilespmem:$0xB0] =	vst v4;
	v14 =	vnsel vm0, $0x0, v13  }
0x33: {  	[tilespmem:$0xC0] =	vst v4  }
0x34: {  	[tilespmem:$0xD0] =	vst v4  }
0x35: {  	[tilespmem:$0xE0] =	vst v4  }
0x36: {  	[tilespmem:$0xF0] =	vst v4  }
0x37: {  	[tilespmem:v14+s8+$0x0] =	vst.idx.msk vm0, v0  }
0x38: {  	v14 =	vld [tilespmem:$0x10];
	_ =	sdelay $0x4  }
0x39: {  	vm6 =	vlt.f32 v14, $0.0e+00;
	vm7 =	vgt.f32 v14, $0.0e+00  }
0x3a: {  	vm0 =	vmor vm7, vm6  }
0x3b: {  	v27 =	vsel vm0, $0x1, v4  }
0x3c: {  	(xrf0) =	vadd.scan.msk.s32 $0xffff, v27;
	_ =	sdelay $0x4  }
0x3d: {  	v13 =	vbroadcast v13, $0xF  }
0x3e: {  	v14, _, _ =	vpop (xrf0)  }
0x3f: {  	(v2sf) =	vpush v12, $0xF;
	v28 =	vadd.s32 v14, v13  }
0x40: {  	(v2sf) =	vpush v14, $0xF;
	v12 =	vnsel vm0, $0x0, v28;
	_ =	sdelay $0x4  }
0x41: {  	[tilespmem:v12+s8+$0x0] =	vst.idx.msk vm0, v6  }
0x42: {  	v12 =	vld [tilespmem:$0x20];
	_ =	sdelay $0x4  }
0x43: {  	vm8 =	vlt.f32 v12, $0.0e+00;
	vm9 =	vgt.f32 v12, $0.0e+00  }
0x44: {  	vm0 =	vmor vm9, vm8  }
0x45: {  	v29 =	vsel vm0, $0x1, v4  }
0x46: {  	s21 =	spop (v2sf);
	(xrf0) =	vadd.scan.msk.s32 $0xffff, v29  }
0x47: {  	s16 =	spop (v2sf)  }
0x48: {  	s15 =	sadd.s32 s21, s16  }
0x49: {  	v30 =	vmov s15  }
0x4a: {  	v12 =	vadd.s32 $0xFFFFFFFF, v30  }
0x4b: {  	v12 =	vbroadcast v12, $0x0  }
0x4c: {  	v31, _, _ =	vpop (xrf0)  }
0x4d: {  	v12 =	vadd.s32 v31, v12  }
0x4e: {  	(v2sf) =	vpush v31, $0xF;
	v12 =	vnsel vm0, $0x0, v12;
	_ =	sdelay $0x4  }
0x4f: {  	[tilespmem:v12+s8+$0x0] =	vst.idx.msk vm0, v7  }
0x50: {  	v12 =	vld [tilespmem:$0x30];
	_ =	sdelay $0x4  }
0x51: {  	vm10 =	vlt.f32 v12, $0.0e+00;
	vm11 =	vgt.f32 v12, $0.0e+00  }
0x52: {  	vm0 =	vmor vm11, vm10  }
0x53: {  	v32 =	vsel vm0, $0x1, v4  }
0x54: {  	(xrf0) =	vadd.scan.msk.s32 $0xffff, v32  }
0x55: {  	s22 =	spop (v2sf)  }
0x56: {  	s15 =	sadd.s32 s15, s22  }
0x57: {  	v33 =	vmov s15  }
0x58: {  	v12 =	vadd.s32 $0xFFFFFFFF, v33  }
0x59: {  	v12 =	vbroadcast v12, $0x0  }
0x5a: {  	v34, _, _ =	vpop (xrf0)  }
0x5b: {  	v12 =	vadd.s32 v34, v12  }
0x5c: {  	(v2sf) =	vpush v34, $0xF;
	v12 =	vnsel vm0, $0x0, v12;
	_ =	sdelay $0x4  }
0x5d: {  	[tilespmem:v12+s8+$0x0] =	vst.idx.msk vm0, v8  }
0x5e: {  	v12 =	vld [tilespmem:$0x40];
	_ =	sdelay $0x4  }
0x5f: {  	vm12 =	vlt.f32 v12, $0.0e+00;
	vm13 =	vgt.f32 v12, $0.0e+00  }
0x60: {  	vm0 =	vmor vm13, vm12  }
0x61: {  	v35 =	vsel vm0, $0x1, v4  }
0x62: {  	(xrf0) =	vadd.scan.msk.s32 $0xffff, v35  }
0x63: {  	s23 =	spop (v2sf)  }
0x64: {  	s15 =	sadd.s32 s15, s23  }
0x65: {  	v36 =	vmov s15  }
0x66: {  	v12 =	vadd.s32 $0xFFFFFFFF, v36  }
0x67: {  	v12 =	vbroadcast v12, $0x0  }
0x68: {  	v37, _, _ =	vpop (xrf0)  }
0x69: {  	v12 =	vadd.s32 v37, v12  }
0x6a: {  	(v2sf) =	vpush v37, $0xF;
	v12 =	vnsel vm0, $0x0, v12;
	_ =	sdelay $0x4  }
0x6b: {  	[tilespmem:v12+s8+$0x0] =	vst.idx.msk vm0, v9  }
0x6c: {  	v12 =	vld [tilespmem:$0x50];
	_ =	sdelay $0x4  }
0x6d: {  	vm14 =	vlt.f32 v12, $0.0e+00;
	vm15 =	vgt.f32 v12, $0.0e+00  }
0x6e: {  	vm0 =	vmor vm15, vm14  }
0x6f: {  	v38 =	vsel vm0, $0x1, v4  }
0x70: {  	(xrf0) =	vadd.scan.msk.s32 $0xffff, v38  }
0x71: {  	s24 =	spop (v2sf)  }
0x72: {  	s15 =	sadd.s32 s15, s24  }
0x73: {  	v39 =	vmov s15  }
0x74: {  	v12 =	vadd.s32 $0xFFFFFFFF, v39  }
0x75: {  	v12 =	vbroadcast v12, $0x0  }
0x76: {  	v40, _, _ =	vpop (xrf0)  }
0x77: {  	v12 =	vadd.s32 v40, v12  }
0x78: {  	v12 =	vnsel vm0, $0x0, v12;
	_ =	sdelay $0x4  }
0x79: {  	[tilespmem:v12+s8+$0x0] =	vst.idx.msk vm0, v10  }
0x7a: {  	v12 =	vld.idx.msk [tilespmem:v1+s8+$0x0], $0xffff;
	_ =	sdelay $0x4  }
0x7b: {  	v12 =	vadd.s32 v2, v12  }
0x7c: {  	[tilespmem:v5+s9+$0x0] =	vst.idx.msk $0xffff, v12  }
0x7d: {  	v12 =	vld.idx.msk [tilespmem:v3+s8+$0x0], $0xffff;
	_ =	sdelay $0x4  }
0x7e: {  	v12 =	vadd.s32 v2, v12  }
0x7f: {  	[tilespmem:v11+s9+$0x0] =	vst.idx.msk $0xffff, v12  }
0x80: {  	v12 =	vld [tilespmem:$0x100];
	_ =	sdelay $0x4  }
0x81: {  	(v2sf) =	vpush v12, $0x0;
	_ =	sdelay $0xe  }
0x82: {  	s25 =	spop (v2sf)  }
0x83: {  	s15 =	smul.u32 $0xE000, s25;
	_ =	sdelay $0x1  }
0x84: {  	s19 =	sshll.u32 s0, $0x6;
	s15 =	sshrl.u32 s15, $0x3  }
0x85: {  	s18 =	sor.u32 $0x1C01, s19;
	s26 =	sadd.s32 s1, s15;
	s15 =	sshrl.u32 s5, $0x3  }
0x86: {  	[spmem:s15], [sflag:s18] =	dma.local [hbm:s26], $0x1C00  }
0x87: {  	v41 =	vld [tilespmem:$0x108];
	_ =	sdelay $0x4  }
0x88: {  	(v2sf) =	vpush v41, $0x0;
	_ =	sdelay $0xe  }
0x89: {  	s16 =	spop (v2sf)  }
0x8a: {  	s16 =	smul.u32 $0xE000, s16;
	_ =	sdelay $0x1  }
0x8b: {  	s16 =	sshrl.u32 s16, $0x3  }
0x8c: {  	s17 =	sadd.s32 s1, s16;
	s16 =	sor.u32 $0x1C02, s19  }
0x8d: {  	[spmem:s10], [sflag:s16] =	dma.local [hbm:s17], $0x1C00  }
0x8e: {  	_ =	swait.ge [sflag:s11], $0x1C00  }
0x8f: {  	[sflag:s11] =	ssyncset.done $0x0  }
0x90: {  	s17 =	sor.u32 $0x1C03, s19;
	[sflag:s11] =	ssyncadd.s32 $0xFFFFE400  }
0x91: {  	[hbm:s4], [sflag:s17] =	dma.local [spmem:s15], $0x1C00  }
0x92: {  	_ =	swait.ge [sflag:s12], $0x1C00  }
0x93: {  	[sflag:s12] =	ssyncset.done $0x0  }
0x94: {  	[sflag:s12] =	ssyncadd.s32 $0xFFFFE400  }
0x95: {  	v42 =	vld [tilespmem:$0x110];
	_ =	sdelay $0x4  }
0x96: {  	(v2sf) =	vpush v42, $0x0;
	_ =	sdelay $0xe  }
0x97: {  	s20 =	spop (v2sf)  }
0x98: {  	s20 =	smul.u32 $0xE000, s20;
	_ =	sdelay $0x1  }
0x99: {  	s20 =	sshrl.u32 s20, $0x3  }
0x9a: {  	s20 =	sadd.s32 s1, s20  }
0x9b: {  	[spmem:s15], [sflag:s18] =	dma.local [hbm:s20], $0x1C00  }
0x9c: {  	_ =	swait.ge [sflag:s13], $0x1C00  }
0x9d: {  	[sflag:s13] =	ssyncset.done $0x0  }
0x9e: {  	s19 =	sor.u32 $0x1C04, s19;
	s28 =	rddreg [dreg:$0x6];
	[sflag:s13] =	ssyncadd.s32 $0xFFFFE400  }
0x9f: {  	[hbm:s28], [sflag:s19] =	dma.local [spmem:s10], $0x1C00  }
0xa0: {  	_ =	swait.ge [sflag:s14], $0x1C00  }
0xa1: {  	[sflag:s14] =	ssyncset.done $0x0  }
0xa2: {  	[sflag:s14] =	ssyncadd.s32 $0xFFFFE400  }
0xa3: {  	v43 =	vld [tilespmem:$0x118];
	_ =	sdelay $0x4  }
0xa4: {  	(v2sf) =	vpush v43, $0x0;
	_ =	sdelay $0xe  }
0xa5: {  	s29 =	spop (v2sf)  }
0xa6: {  	s20 =	smul.u32 $0xE000, s29;
	_ =	sdelay $0x1  }
0xa7: {  	s20 =	sshrl.u32 s20, $0x3  }
0xa8: {  	s20 =	sadd.s32 s1, s20  }
0xa9: {  	[spmem:s10], [sflag:s16] =	dma.local [hbm:s20], $0x1C00  }
0xaa: {  	_ =	swait.ge [sflag:s11], $0x1C00  }
0xab: {  	[sflag:s11] =	ssyncset.done $0x0  }
0xac: {  	s30 =	rddreg [dreg:$0x7];
	[sflag:s11] =	ssyncadd.s32 $0xFFFFE400  }
0xad: {  	[hbm:s30], [sflag:s17] =	dma.local [spmem:s15], $0x1C00  }
0xae: {  	_ =	swait.ge [sflag:s12], $0x1C00  }
0xaf: {  	[sflag:s12] =	ssyncset.done $0x0  }
0xb0: {  	[sflag:s12] =	ssyncadd.s32 $0xFFFFE400  }
0xb1: {  	v44 =	vld [tilespmem:$0x120];
	_ =	sdelay $0x4  }
0xb2: {  	(v2sf) =	vpush v44, $0x0;
	_ =	sdelay $0xe  }
0xb3: {  	s31 =	spop (v2sf)  }
0xb4: {  	s20 =	smul.u32 $0xE000, s31;
	_ =	sdelay $0x1  }
0xb5: {  	s20 =	sshrl.u32 s20, $0x3  }
0xb6: {  	s20 =	sadd.s32 s1, s20  }
0xb7: {  	[spmem:s15], [sflag:s18] =	dma.local [hbm:s20], $0x1C00  }
0xb8: {  	_ =	swait.ge [sflag:s13], $0x1C00  }
0xb9: {  	[sflag:s13] =	ssyncset.done $0x0  }
0xba: {  	s21 =	rddreg [dreg:$0x8];
	[sflag:s13] =	ssyncadd.s32 $0xFFFFE400  }
0xbb: {  	[hbm:s21], [sflag:s19] =	dma.local [spmem:s10], $0x1C00  }
0xbc: {  	_ =	swait.ge [sflag:s14], $0x1C00  }
0xbd: {  	[sflag:s14] =	ssyncset.done $0x0  }
0xbe: {  	[sflag:s14] =	ssyncadd.s32 $0xFFFFE400  }
0xbf: {  	v45 =	vld [tilespmem:$0x128];
	_ =	sdelay $0x4  }
0xc0: {  	(v2sf) =	vpush v45, $0x0;
	_ =	sdelay $0xe  }
0xc1: {  	s22 =	spop (v2sf)  }
0xc2: {  	s20 =	smul.u32 $0xE000, s22;
	_ =	sdelay $0x1  }
0xc3: {  	s20 =	sshrl.u32 s20, $0x3  }
0xc4: {  	s20 =	sadd.s32 s1, s20  }
0xc5: {  	[spmem:s10], [sflag:s16] =	dma.local [hbm:s20], $0x1C00  }
0xc6: {  	_ =	swait.ge [sflag:s11], $0x1C00  }
0xc7: {  	[sflag:s11] =	ssyncset.done $0x0  }
0xc8: {  	s23 =	rddreg [dreg:$0x9];
	[sflag:s11] =	ssyncadd.s32 $0xFFFFE400  }
0xc9: {  	[hbm:s23], [sflag:s17] =	dma.local [spmem:s15], $0x1C00  }
0xca: {  	_ =	swait.ge [sflag:s12], $0x1C00  }
0xcb: {  	[sflag:s12] =	ssyncset.done $0x0  }
0xcc: {  	[sflag:s12] =	ssyncadd.s32 $0xFFFFE400  }
0xcd: {  	v46 =	vld [tilespmem:$0x130];
	_ =	sdelay $0x4  }
0xce: {  	(v2sf) =	vpush v46, $0x0;
	_ =	sdelay $0xe  }
0xcf: {  	s24 =	spop (v2sf)  }
0xd0: {  	s20 =	smul.u32 $0xE000, s24;
	_ =	sdelay $0x1  }
0xd1: {  	s20 =	sshrl.u32 s20, $0x3  }
0xd2: {  	s20 =	sadd.s32 s1, s20  }
0xd3: {  	[spmem:s15], [sflag:s18] =	dma.local [hbm:s20], $0x1C00  }
0xd4: {  	_ =	swait.ge [sflag:s13], $0x1C00  }
0xd5: {  	[sflag:s13] =	ssyncset.done $0x0  }
0xd6: {  	s25 =	rddreg [dreg:$0xa];
	[sflag:s13] =	ssyncadd.s32 $0xFFFFE400  }
0xd7: {  	[hbm:s25], [sflag:s19] =	dma.local [spmem:s10], $0x1C00  }
0xd8: {  	_ =	swait.ge [sflag:s14], $0x1C00  }
0xd9: {  	[sflag:s14] =	ssyncset.done $0x0  }
0xda: {  	[sflag:s14] =	ssyncadd.s32 $0xFFFFE400  }
0xdb: {  	v47 =	vld [tilespmem:$0x138];
	_ =	sdelay $0x4  }
0xdc: {  	(v2sf) =	vpush v47, $0x0;
	_ =	sdelay $0xe  }
0xdd: {  	s26 =	spop (v2sf)  }
0xde: {  	s20 =	smul.u32 $0xE000, s26;
	_ =	sdelay $0x1  }
0xdf: {  	s20 =	sshrl.u32 s20, $0x3  }
0xe0: {  	s20 =	sadd.s32 s1, s20  }
0xe1: {  	[spmem:s10], [sflag:s16] =	dma.local [hbm:s20], $0x1C00  }
0xe2: {  	_ =	swait.ge [sflag:s11], $0x1C00  }
0xe3: {  	[sflag:s11] =	ssyncset.done $0x0  }
0xe4: {  	s28 =	rddreg [dreg:$0xb];
	[sflag:s11] =	ssyncadd.s32 $0xFFFFE400  }
0xe5: {  	[hbm:s28], [sflag:s17] =	dma.local [spmem:s15], $0x1C00  }
0xe6: {  	_ =	swait.ge [sflag:s12], $0x1C00  }
0xe7: {  	[sflag:s12] =	ssyncset.done $0x0  }
0xe8: {  	[sflag:s12] =	ssyncadd.s32 $0xFFFFE400  }
0xe9: {  	v48 =	vld [tilespmem:$0x140];
	_ =	sdelay $0x4  }
0xea: {  	(v2sf) =	vpush v48, $0x0;
	_ =	sdelay $0xe  }
0xeb: {  	s29 =	spop (v2sf)  }
0xec: {  	s20 =	smul.u32 $0xE000, s29;
	_ =	sdelay $0x1  }
0xed: {  	s20 =	sshrl.u32 s20, $0x3  }
0xee: {  	s20 =	sadd.s32 s1, s20  }
0xef: {  	[spmem:s15], [sflag:s18] =	dma.local [hbm:s20], $0x1C00  }
0xf0: {  	_ =	swait.ge [sflag:s13], $0x1C00  }
0xf1: {  	[sflag:s13] =	ssyncset.done $0x0  }
0xf2: {  	s30 =	rddreg [dreg:$0xc];
	[sflag:s13] =	ssyncadd.s32 $0xFFFFE400  }
0xf3: {  	[hbm:s30], [sflag:s19] =	dma.local [spmem:s10], $0x1C00  }
0xf4: {  	_ =	swait.ge [sflag:s14], $0x1C00  }
0xf5: {  	[sflag:s14] =	ssyncset.done $0x0  }
0xf6: {  	[sflag:s14] =	ssyncadd.s32 $0xFFFFE400  }
0xf7: {  	v49 =	vld [tilespmem:$0x148];
	_ =	sdelay $0x4  }
0xf8: {  	(v2sf) =	vpush v49, $0x0;
	_ =	sdelay $0xe  }
0xf9: {  	s31 =	spop (v2sf)  }
0xfa: {  	s20 =	smul.u32 $0xE000, s31;
	_ =	sdelay $0x1  }
0xfb: {  	s20 =	sshrl.u32 s20, $0x3  }
0xfc: {  	s20 =	sadd.s32 s1, s20  }
0xfd: {  	[spmem:s10], [sflag:s16] =	dma.local [hbm:s20], $0x1C00  }
0xfe: {  	_ =	swait.ge [sflag:s11], $0x1C00  }
0xff: {  	[sflag:s11] =	ssyncset.done $0x0  }
0x100: {  	s21 =	rddreg [dreg:$0xd];
	[sflag:s11] =	ssyncadd.s32 $0xFFFFE400  }
0x101: {  	[hbm:s21], [sflag:s17] =	dma.local [spmem:s15], $0x1C00  }
0x102: {  	_ =	swait.ge [sflag:s12], $0x1C00  }
0x103: {  	[sflag:s12] =	ssyncset.done $0x0  }
0x104: {  	[sflag:s12] =	ssyncadd.s32 $0xFFFFE400  }
0x105: {  	v50 =	vld [tilespmem:$0x150];
	_ =	sdelay $0x4  }
0x106: {  	(v2sf) =	vpush v50, $0x0;
	_ =	sdelay $0xe  }
0x107: {  	s22 =	spop (v2sf)  }
0x108: {  	s20 =	smul.u32 $0xE000, s22;
	_ =	sdelay $0x1  }
0x109: {  	s20 =	sshrl.u32 s20, $0x3  }
0x10a: {  	s20 =	sadd.s32 s1, s20  }
0x10b: {  	[spmem:s15], [sflag:s18] =	dma.local [hbm:s20], $0x1C00  }
0x10c: {  	_ =	swait.ge [sflag:s13], $0x1C00  }
0x10d: {  	[sflag:s13] =	ssyncset.done $0x0  }
0x10e: {  	s23 =	rddreg [dreg:$0xe];
	[sflag:s13] =	ssyncadd.s32 $0xFFFFE400  }
0x10f: {  	[hbm:s23], [sflag:s19] =	dma.local [spmem:s10], $0x1C00  }
0x110: {  	_ =	swait.ge [sflag:s14], $0x1C00  }
0x111: {  	[sflag:s14] =	ssyncset.done $0x0  }
0x112: {  	[sflag:s14] =	ssyncadd.s32 $0xFFFFE400  }
0x113: {  	v51 =	vld [tilespmem:$0x158];
	_ =	sdelay $0x4  }
0x114: {  	(v2sf) =	vpush v51, $0x0;
	_ =	sdelay $0xe  }
0x115: {  	s24 =	spop (v2sf)  }
0x116: {  	s20 =	smul.u32 $0xE000, s24;
	_ =	sdelay $0x1  }
0x117: {  	s20 =	sshrl.u32 s20, $0x3  }
0x118: {  	s20 =	sadd.s32 s1, s20  }
0x119: {  	[spmem:s10], [sflag:s16] =	dma.local [hbm:s20], $0x1C00  }
0x11a: {  	_ =	swait.ge [sflag:s11], $0x1C00  }
0x11b: {  	[sflag:s11] =	ssyncset.done $0x0  }
0x11c: {  	s25 =	rddreg [dreg:$0xf];
	[sflag:s11] =	ssyncadd.s32 $0xFFFFE400  }
0x11d: {  	[hbm:s25], [sflag:s17] =	dma.local [spmem:s15], $0x1C00  }
0x11e: {  	_ =	swait.ge [sflag:s12], $0x1C00  }
0x11f: {  	[sflag:s12] =	ssyncset.done $0x0  }
0x120: {  	[sflag:s12] =	ssyncadd.s32 $0xFFFFE400  }
0x121: {  	v52 =	vld [tilespmem:$0x160];
	_ =	sdelay $0x4  }
0x122: {  	(v2sf) =	vpush v52, $0x0;
	_ =	sdelay $0xe  }
0x123: {  	s26 =	spop (v2sf)  }
0x124: {  	s20 =	smul.u32 $0xE000, s26;
	_ =	sdelay $0x1  }
0x125: {  	s20 =	sshrl.u32 s20, $0x3  }
0x126: {  	s20 =	sadd.s32 s1, s20  }
0x127: {  	[spmem:s15], [sflag:s18] =	dma.local [hbm:s20], $0x1C00  }
0x128: {  	_ =	swait.ge [sflag:s13], $0x1C00  }
0x129: {  	[sflag:s13] =	ssyncset.done $0x0  }
0x12a: {  	s28 =	rddreg [dreg:$0x10];
	[sflag:s13] =	ssyncadd.s32 $0xFFFFE400  }
0x12b: {  	[hbm:s28], [sflag:s19] =	dma.local [spmem:s10], $0x1C00  }
0x12c: {  	_ =	swait.ge [sflag:s14], $0x1C00  }
0x12d: {  	[sflag:s14] =	ssyncset.done $0x0  }
0x12e: {  	[sflag:s14] =	ssyncadd.s32 $0xFFFFE400  }
0x12f: {  	v53 =	vld [tilespmem:$0x168];
	_ =	sdelay $0x4  }
0x130: {  	(v2sf) =	vpush v53, $0x0;
	_ =	sdelay $0xe  }
0x131: {  	s29 =	spop (v2sf)  }
0x132: {  	s20 =	smul.u32 $0xE000, s29;
	_ =	sdelay $0x1  }
0x133: {  	s20 =	sshrl.u32 s20, $0x3  }
0x134: {  	s20 =	sadd.s32 s1, s20  }
0x135: {  	[spmem:s10], [sflag:s16] =	dma.local [hbm:s20], $0x1C00  }
0x136: {  	_ =	swait.ge [sflag:s11], $0x1C00  }
0x137: {  	[sflag:s11] =	ssyncset.done $0x0  }
0x138: {  	s30 =	rddreg [dreg:$0x11];
	[sflag:s11] =	ssyncadd.s32 $0xFFFFE400  }
0x139: {  	[hbm:s30], [sflag:s17] =	dma.local [spmem:s15], $0x1C00  }
0x13a: {  	_ =	swait.ge [sflag:s12], $0x1C00  }
0x13b: {  	[sflag:s12] =	ssyncset.done $0x0  }
0x13c: {  	[sflag:s12] =	ssyncadd.s32 $0xFFFFE400  }
0x13d: {  	v54 =	vld [tilespmem:$0x170];
	_ =	sdelay $0x4  }
0x13e: {  	(v2sf) =	vpush v54, $0x0;
	_ =	sdelay $0xe  }
0x13f: {  	s31 =	spop (v2sf)  }
0x140: {  	s20 =	smul.u32 $0xE000, s31;
	_ =	sdelay $0x1  }
0x141: {  	s20 =	sshrl.u32 s20, $0x3  }
0x142: {  	s20 =	sadd.s32 s1, s20  }
0x143: {  	[spmem:s15], [sflag:s18] =	dma.local [hbm:s20], $0x1C00  }
0x144: {  	_ =	swait.ge [sflag:s13], $0x1C00  }
0x145: {  	[sflag:s13] =	ssyncset.done $0x0  }
0x146: {  	s21 =	rddreg [dreg:$0x12];
	[sflag:s13] =	ssyncadd.s32 $0xFFFFE400  }
0x147: {  	[hbm:s21], [sflag:s19] =	dma.local [spmem:s10], $0x1C00  }
0x148: {  	_ =	swait.ge [sflag:s14], $0x1C00  }
0x149: {  	[sflag:s14] =	ssyncset.done $0x0  }
0x14a: {  	[sflag:s14] =	ssyncadd.s32 $0xFFFFE400  }
0x14b: {  	v55 =	vld [tilespmem:$0x178];
	_ =	sdelay $0x4  }
0x14c: {  	(v2sf) =	vpush v55, $0x0;
	_ =	sdelay $0xe  }
0x14d: {  	s22 =	spop (v2sf)  }
0x14e: {  	s20 =	smul.u32 $0xE000, s22;
	_ =	sdelay $0x1  }
0x14f: {  	s20 =	sshrl.u32 s20, $0x3  }
0x150: {  	s20 =	sadd.s32 s1, s20  }
0x151: {  	[spmem:s10], [sflag:s16] =	dma.local [hbm:s20], $0x1C00  }
0x152: {  	_ =	swait.ge [sflag:s11], $0x1C00  }
0x153: {  	[sflag:s11] =	ssyncset.done $0x0  }
0x154: {  	s23 =	rddreg [dreg:$0x13];
	[sflag:s11] =	ssyncadd.s32 $0xFFFFE400  }
0x155: {  	[hbm:s23], [sflag:s17] =	dma.local [spmem:s15], $0x1C00  }
0x156: {  	_ =	swait.ge [sflag:s12], $0x1C00  }
0x157: {  	[sflag:s12] =	ssyncset.done $0x0  }
0x158: {  	[sflag:s12] =	ssyncadd.s32 $0xFFFFE400  }
0x159: {  	v56 =	vld [tilespmem:$0x180];
	_ =	sdelay $0x4  }
0x15a: {  	(v2sf) =	vpush v56, $0x0;
	_ =	sdelay $0xe  }
0x15b: {  	s24 =	spop (v2sf)  }
0x15c: {  	s20 =	smul.u32 $0xE000, s24;
	_ =	sdelay $0x1  }
0x15d: {  	s20 =	sshrl.u32 s20, $0x3  }
0x15e: {  	s20 =	sadd.s32 s1, s20  }
0x15f: {  	[spmem:s15], [sflag:s18] =	dma.local [hbm:s20], $0x1C00  }
0x160: {  	_ =	swait.ge [sflag:s13], $0x1C00  }
0x161: {  	[sflag:s13] =	ssyncset.done $0x0  }
0x162: {  	s25 =	rddreg [dreg:$0x14];
	[sflag:s13] =	ssyncadd.s32 $0xFFFFE400  }
0x163: {  	[hbm:s25], [sflag:s19] =	dma.local [spmem:s10], $0x1C00  }
0x164: {  	_ =	swait.ge [sflag:s14], $0x1C00  }
0x165: {  	[sflag:s14] =	ssyncset.done $0x0  }
0x166: {  	[sflag:s14] =	ssyncadd.s32 $0xFFFFE400  }
0x167: {  	v57 =	vld [tilespmem:$0x188];
	_ =	sdelay $0x4  }
0x168: {  	(v2sf) =	vpush v57, $0x0;
	_ =	sdelay $0xe  }
0x169: {  	s26 =	spop (v2sf)  }
0x16a: {  	s20 =	smul.u32 $0xE000, s26;
	_ =	sdelay $0x1  }
0x16b: {  	s20 =	sshrl.u32 s20, $0x3  }
0x16c: {  	s20 =	sadd.s32 s1, s20  }
0x16d: {  	[spmem:s10], [sflag:s16] =	dma.local [hbm:s20], $0x1C00  }
0x16e: {  	_ =	swait.ge [sflag:s11], $0x1C00  }
0x16f: {  	[sflag:s11] =	ssyncset.done $0x0  }
0x170: {  	s28 =	rddreg [dreg:$0x15];
	[sflag:s11] =	ssyncadd.s32 $0xFFFFE400  }
0x171: {  	[hbm:s28], [sflag:s17] =	dma.local [spmem:s15], $0x1C00  }
0x172: {  	_ =	swait.ge [sflag:s12], $0x1C00  }
0x173: {  	[sflag:s12] =	ssyncset.done $0x0  }
0x174: {  	[sflag:s12] =	ssyncadd.s32 $0xFFFFE400  }
0x175: {  	v58 =	vld [tilespmem:$0x190];
	_ =	sdelay $0x4  }
0x176: {  	(v2sf) =	vpush v58, $0x0;
	_ =	sdelay $0xe  }
0x177: {  	s29 =	spop (v2sf)  }
0x178: {  	s20 =	smul.u32 $0xE000, s29;
	_ =	sdelay $0x1  }
0x179: {  	s20 =	sshrl.u32 s20, $0x3  }
0x17a: {  	s20 =	sadd.s32 s1, s20  }
0x17b: {  	[spmem:s15], [sflag:s18] =	dma.local [hbm:s20], $0x1C00  }
0x17c: {  	_ =	swait.ge [sflag:s13], $0x1C00  }
0x17d: {  	[sflag:s13] =	ssyncset.done $0x0  }
0x17e: {  	s30 =	rddreg [dreg:$0x16];
	[sflag:s13] =	ssyncadd.s32 $0xFFFFE400  }
0x17f: {  	[hbm:s30], [sflag:s19] =	dma.local [spmem:s10], $0x1C00  }
0x180: {  	_ =	swait.ge [sflag:s14], $0x1C00  }
0x181: {  	[sflag:s14] =	ssyncset.done $0x0  }
0x182: {  	[sflag:s14] =	ssyncadd.s32 $0xFFFFE400  }
0x183: {  	v59 =	vld [tilespmem:$0x198];
	_ =	sdelay $0x4  }
0x184: {  	(v2sf) =	vpush v59, $0x0;
	_ =	sdelay $0xe  }
0x185: {  	s31 =	spop (v2sf)  }
0x186: {  	s20 =	smul.u32 $0xE000, s31;
	_ =	sdelay $0x1  }
0x187: {  	s20 =	sshrl.u32 s20, $0x3  }
0x188: {  	s20 =	sadd.s32 s1, s20  }
0x189: {  	[spmem:s10], [sflag:s16] =	dma.local [hbm:s20], $0x1C00  }
0x18a: {  	_ =	swait.ge [sflag:s11], $0x1C00  }
0x18b: {  	[sflag:s11] =	ssyncset.done $0x0  }
0x18c: {  	s21 =	rddreg [dreg:$0x17];
	[sflag:s11] =	ssyncadd.s32 $0xFFFFE400  }
0x18d: {  	[hbm:s21], [sflag:s17] =	dma.local [spmem:s15], $0x1C00  }
0x18e: {  	_ =	swait.ge [sflag:s12], $0x1C00  }
0x18f: {  	[sflag:s12] =	ssyncset.done $0x0  }
0x190: {  	[sflag:s12] =	ssyncadd.s32 $0xFFFFE400  }
0x191: {  	v60 =	vld [tilespmem:$0x1A0];
	_ =	sdelay $0x4  }
0x192: {  	(v2sf) =	vpush v60, $0x0;
	_ =	sdelay $0xe  }
0x193: {  	s22 =	spop (v2sf)  }
0x194: {  	s20 =	smul.u32 $0xE000, s22;
	_ =	sdelay $0x1  }
0x195: {  	s20 =	sshrl.u32 s20, $0x3  }
0x196: {  	s20 =	sadd.s32 s1, s20  }
0x197: {  	[spmem:s15], [sflag:s18] =	dma.local [hbm:s20], $0x1C00  }
0x198: {  	_ =	swait.ge [sflag:s13], $0x1C00  }
0x199: {  	[sflag:s13] =	ssyncset.done $0x0  }
0x19a: {  	s23 =	rddreg [dreg:$0x18];
	[sflag:s13] =	ssyncadd.s32 $0xFFFFE400  }
0x19b: {  	[hbm:s23], [sflag:s19] =	dma.local [spmem:s10], $0x1C00  }
0x19c: {  	_ =	swait.ge [sflag:s14], $0x1C00  }
0x19d: {  	[sflag:s14] =	ssyncset.done $0x0  }
0x19e: {  	[sflag:s14] =	ssyncadd.s32 $0xFFFFE400  }
0x19f: {  	v61 =	vld [tilespmem:$0x1A8];
	_ =	sdelay $0x4  }
0x1a0: {  	(v2sf) =	vpush v61, $0x0;
	_ =	sdelay $0xe  }
0x1a1: {  	s24 =	spop (v2sf)  }
0x1a2: {  	s20 =	smul.u32 $0xE000, s24;
	_ =	sdelay $0x1  }
0x1a3: {  	s20 =	sshrl.u32 s20, $0x3  }
0x1a4: {  	s20 =	sadd.s32 s1, s20  }
0x1a5: {  	[spmem:s10], [sflag:s16] =	dma.local [hbm:s20], $0x1C00  }
0x1a6: {  	_ =	swait.ge [sflag:s11], $0x1C00  }
0x1a7: {  	[sflag:s11] =	ssyncset.done $0x0  }
0x1a8: {  	s25 =	rddreg [dreg:$0x19];
	[sflag:s11] =	ssyncadd.s32 $0xFFFFE400  }
0x1a9: {  	[hbm:s25], [sflag:s17] =	dma.local [spmem:s15], $0x1C00  }
0x1aa: {  	_ =	swait.ge [sflag:s12], $0x1C00  }
0x1ab: {  	[sflag:s12] =	ssyncset.done $0x0  }
0x1ac: {  	[sflag:s12] =	ssyncadd.s32 $0xFFFFE400  }
0x1ad: {  	v62 =	vld [tilespmem:$0x1B0];
	_ =	sdelay $0x4  }
0x1ae: {  	(v2sf) =	vpush v62, $0x0;
	_ =	sdelay $0xe  }
0x1af: {  	s26 =	spop (v2sf)  }
0x1b0: {  	s20 =	smul.u32 $0xE000, s26;
	_ =	sdelay $0x1  }
0x1b1: {  	s20 =	sshrl.u32 s20, $0x3  }
0x1b2: {  	s20 =	sadd.s32 s1, s20  }
0x1b3: {  	[spmem:s15], [sflag:s18] =	dma.local [hbm:s20], $0x1C00  }
0x1b4: {  	_ =	swait.ge [sflag:s13], $0x1C00  }
0x1b5: {  	[sflag:s13] =	ssyncset.done $0x0  }
0x1b6: {  	s28 =	rddreg [dreg:$0x1a];
	[sflag:s13] =	ssyncadd.s32 $0xFFFFE400  }
0x1b7: {  	[hbm:s28], [sflag:s19] =	dma.local [spmem:s10], $0x1C00  }
0x1b8: {  	_ =	swait.ge [sflag:s14], $0x1C00  }
0x1b9: {  	[sflag:s14] =	ssyncset.done $0x0  }
0x1ba: {  	[sflag:s14] =	ssyncadd.s32 $0xFFFFE400  }
0x1bb: {  	v63 =	vld [tilespmem:$0x1B8];
	_ =	sdelay $0x4  }
0x1bc: {  	(v2sf) =	vpush v63, $0x0;
	_ =	sdelay $0xe  }
0x1bd: {  	s29 =	spop (v2sf)  }
0x1be: {  	s18 =	smul.u32 $0xE000, s29;
	_ =	sdelay $0x1  }
0x1bf: {  	s18 =	sshrl.u32 s18, $0x3  }
0x1c0: {  	s18 =	sadd.s32 s1, s18  }
0x1c1: {  	[spmem:s10], [sflag:s16] =	dma.local [hbm:s18], $0x1C00  }
0x1c2: {  	_ =	swait.ge [sflag:s11], $0x1C00  }
0x1c3: {  	[sflag:s11] =	ssyncset.done $0x0  }
0x1c4: {  	s30 =	rddreg [dreg:$0x1b];
	[sflag:s11] =	ssyncadd.s32 $0xFFFFE400  }
0x1c5: {  	[hbm:s30], [sflag:s17] =	dma.local [spmem:s15], $0x1C00  }
0x1c6: {  	_ =	swait.ge [sflag:s13], $0x1C00  }
0x1c7: {  	[sflag:s13] =	ssyncset.done $0x0  }
0x1c8: {  	s31 =	rddreg [dreg:$0x1c];
	[sflag:s13] =	ssyncadd.s32 $0xFFFFE400  }
0x1c9: {  	[hbm:s31], [sflag:s19] =	dma.local [spmem:s10], $0x1C00  }
0x1ca: {  	p0 =	sne.s32 s6, $0x1;
	_ =	swait.ge [sflag:s12], $0x1C00  }
.Ltmp0:
0x1cb: {  	[sflag:s12] =	ssyncset.done $0x0;
	(pc) =	sbr.rel @p0 .LBB2_1-.Ltmp0, $4  }
0x1cc: {  	[sflag:s12] =	ssyncadd.s32 $0xFFFFE400  }
0x1cd: {  	_ =	swait.ge [sflag:s14], $0x1C00  }
0x1ce: {  	[sflag:s14] =	ssyncset.done $0x0  }
0x1cf: {  	s6 =	sadd.s32 $0xFFFFFFFF, s6;
	[sflag:s14] =	ssyncadd.s32 $0xFFFFE400  }
0x1d0: {  	_ =	sfence.sel $0x180000  }
0x1d1: {  	[bflag:$0x0] =	sbarrier.arrive $0xFFFF  }
0x1d2: {  	p0 =	sne.s32 s0, $0x0;
	_ =	strace $0x90000047  }
0x1d3: {  	s0 =	sadd.s32 @!p0 $0x100000, s2;
	[bflag:$0x2] =	sbarrier.arrive $0xFFFF  }
0x1d4: {  	[sflag:s0] =	ssyncadd.tile.s32 @!p0 $0x1;
	_ =	shalt  }
.Lfunc_end2:
_tile_overlayer_lowered:
.L_overlay_start_2:
0x1d5: {  	(tag) =	ssettag $0x2  }
0x1d6: {  	s0 =	rddreg [dreg:$0x0];
	s2 =	stileid.u32  }
0x1d7: {  	s1 =	rddreg [dreg:$0x1];
	p0 =	sne.s32 s2, $0x0  }
0x1d8: {  	s3 =	rddreg [dreg:$0x2];
	[bflag:$0x3] =	sbarrier.arrive $0xFFFF;
	s2 =	simm.s32 @!p0 $0x1C05  }
0x1d9: {  	[timem:s3], [sflag:s2] =	dma.local @!p0 [hbm:s0], s1  }
0x1da: {  	s0 =	simm.s32 @!p0 $0x5  }
0x1db: {  	_ =	swait.ge @!p0 [sflag:s0], s1  }
0x1dc: {  	s1 =	ssub.s32 @!p0 $0x0, s1;
	[sflag:s0] =	ssyncset.done @!p0 $0x0  }
0x1dd: {  	[sflag:s0] =	ssyncadd.s32 @!p0 s1  }
0x1de: {  	[bflag:$0x3] =	sbarrier.arrive $0xFFFF  }
0x1df: {  	_ =	shalt  }

</sc_bundles>
